<compile_context>
chip_gen: v7x
topology: tpu7x:2x2x1
jax: 0.10.2.dev20260603
libtpu: 0.0.44.dev20260713+nightly
codegen_flags: <defaults>
</compile_context>

<pallas_src>
import functools

import jax
import jax.numpy as jnp
from jax import lax
from jax.experimental import pallas as pl
from jax.experimental.pallas import tpu as pltpu
from jax.experimental.pallas import tpu_sc as plsc

N = 10000
D = 128
E = 320000
NC, NS = 2, 16
NW = NC * NS
CHUNK = 128
NCHUNK = 79
EPT = NCHUNK * CHUNK
E_PAD = EPT * NW
NPAD = 10112
RPT = NPAD // NS


def _deg_body(edges_hbm, eye_hbm, zerosd_hbm, out_hbm,
              pair_v, e0_v, e1_v, acc, sem):
    c = lax.axis_index("c")
    s = lax.axis_index("s")
    wid = c * NS + s
    row0 = s * RPT
    pltpu.sync_copy(zerosd_hbm.at[pl.ds(row0, RPT)], acc.at[pl.ds(row0, RPT)])
    pltpu.sync_copy(eye_hbm.at[0], e0_v)
    pltpu.sync_copy(eye_hbm.at[1], e1_v)
    plsc.subcore_barrier()

    def body(i, carry):
        pltpu.async_copy(edges_hbm.at[wid, i], pair_v, sem).wait()
        pltpu.sync_copy(e0_v, acc.at[pair_v.at[0]], add=True)
        pltpu.sync_copy(e1_v, acc.at[pair_v.at[1]], add=True)
        return carry

    lax.fori_loop(0, NCHUNK, body, 0)
    plsc.subcore_barrier()
    pltpu.sync_copy(acc.at[pl.ds(row0, RPT)], out_hbm.at[c, pl.ds(row0, RPT)])


def _prop_body(t_hbm, src0_hbm, dst_hbm, zerosd_hbm, out_hbm,
               sidx_v, didx_v, rows_v, acc, sem):
    c = lax.axis_index("c")
    s = lax.axis_index("s")
    wid = c * NS + s
    row0 = s * RPT
    pltpu.sync_copy(zerosd_hbm.at[pl.ds(row0, RPT)], acc.at[pl.ds(row0, RPT)])
    pltpu.sync_copy(src0_hbm.at[wid], sidx_v)
    pltpu.sync_copy(dst_hbm.at[wid], didx_v)
    plsc.subcore_barrier()

    def body(i, carry):
        pltpu.async_copy(t_hbm.at[sidx_v.at[i]], rows_v, sem).wait()
        pltpu.sync_copy(rows_v, acc.at[didx_v.at[i]], add=True)
        return carry

    lax.fori_loop(0, NCHUNK, body, 0)
    plsc.subcore_barrier()
    pltpu.sync_copy(acc.at[pl.ds(row0, RPT)], out_hbm.at[c, pl.ds(row0, RPT)])


@functools.cache
def _sc_kernels():
    mesh = plsc.VectorSubcoreMesh(
        core_axis_name="c", subcore_axis_name="s",
        num_cores=NC, num_subcores=NS)
    deg = pl.kernel(
        _deg_body,
        out_type=jax.ShapeDtypeStruct((NC, NPAD, D), jnp.float32),
        mesh=mesh,
        scratch_types=[
            pltpu.VMEM((2, CHUNK), jnp.int32),
            pltpu.VMEM((CHUNK, D), jnp.float32),
            pltpu.VMEM((CHUNK, D), jnp.float32),
            pltpu.VMEM_SHARED((NPAD, D), jnp.float32),
            pltpu.SemaphoreType.DMA,
        ])
    prop = pl.kernel(
        _prop_body,
        out_type=jax.ShapeDtypeStruct((NC, NPAD, D), jnp.float32),
        mesh=mesh,
        scratch_types=[
            pltpu.VMEM((NCHUNK, CHUNK), jnp.int32),
            pltpu.VMEM((NCHUNK, CHUNK), jnp.int32),
            pltpu.VMEM((CHUNK, D), jnp.float32),
            pltpu.VMEM_SHARED((NPAD, D), jnp.float32),
            pltpu.SemaphoreType.DMA,
        ])
    return deg, prop



_BLK = 1000
_GRID = N // _BLK


def _din_dout(cnt):
    cs = sum(cnt[i] for i in range(NC))
    dout = jnp.maximum(cs[:, 0:1], 1.0)
    din = jnp.maximum(cs[:, 1:2], 1.0)
    return lax.rsqrt(din), lax.rsqrt(dout)


def _b1_body(x_ref, w_ref, cnt_ref, o_ref):
    _, dout = _din_dout(cnt_ref[...])
    o_ref[...] = jnp.dot(x_ref[...] * dout, w_ref[...],
                         preferred_element_type=jnp.float32)


def _mid_body(p_ref, cnt_ref, b_ref, w_ref, o_ref):
    din, dout = _din_dout(cnt_ref[...])
    x = sum(p_ref[i] for i in range(NC)) * din + b_ref[...]
    o_ref[...] = jnp.dot(x * dout, w_ref[...],
                         preferred_element_type=jnp.float32)


def _out_body(p_ref, cnt_ref, b_ref, g_ref, be_ref, o_ref):
    din, _ = _din_dout(cnt_ref[...])
    x = sum(p_ref[i] for i in range(NC)) * din + b_ref[...]
    mu = jnp.mean(x, axis=-1, keepdims=True)
    var = jnp.mean((x - mu) * (x - mu), axis=-1, keepdims=True)
    o_ref[...] = (x - mu) * lax.rsqrt(var + 1e-5) * g_ref[...] + be_ref[...]


_X_SPEC = pl.BlockSpec((_BLK, D), lambda i: (i, 0))
_W_SPEC = pl.BlockSpec((D, D), lambda i: (0, 0))
_CNT_SPEC = pl.BlockSpec((NC, _BLK, D), lambda i: (0, i, 0))
_P_SPEC = pl.BlockSpec((NC, _BLK, D), lambda i: (0, i, 0))
_V_SPEC = pl.BlockSpec((1, D), lambda i: (0, 0))
_O_SHAPE = jax.ShapeDtypeStruct((N, D), jnp.float32)

_b1_call = pl.pallas_call(
    _b1_body, grid=(_GRID,),
    in_specs=[_X_SPEC, _W_SPEC, _CNT_SPEC],
    out_specs=_X_SPEC, out_shape=_O_SHAPE)

_mid_call = pl.pallas_call(
    _mid_body, grid=(_GRID,),
    in_specs=[_P_SPEC, _CNT_SPEC, _V_SPEC, _W_SPEC],
    out_specs=_X_SPEC, out_shape=_O_SHAPE)

_out_call = pl.pallas_call(
    _out_body, grid=(_GRID,),
    in_specs=[_P_SPEC, _CNT_SPEC, _V_SPEC, _V_SPEC, _V_SPEC],
    out_specs=_X_SPEC, out_shape=_O_SHAPE)



def kernel(in_feat, edge_index, W1, b1, W2, b2, W3, b3, gamma, beta):
    src = edge_index[0].astype(jnp.int32)
    dst = edge_index[1].astype(jnp.int32)
    pad = E_PAD - E
    src_n = jnp.concatenate([src, jnp.full((pad,), N, jnp.int32)]).reshape(NW, NCHUNK, CHUNK)
    src_0 = jnp.concatenate([src, jnp.zeros((pad,), jnp.int32)]).reshape(NW, NCHUNK, CHUNK)
    dst_n = jnp.concatenate([dst, jnp.full((pad,), N, jnp.int32)]).reshape(NW, NCHUNK, CHUNK)
    e_deg = jnp.stack([src_n, dst_n], axis=2)
    eye = jnp.zeros((2, CHUNK, D), jnp.float32)
    eye = eye.at[0, :, 0].set(1.0).at[1, :, 1].set(1.0)
    zerosd = jnp.zeros((NPAD, D), jnp.float32)

    _deg_kernel, _prop_kernel = _sc_kernels()
    cnt = _deg_kernel(e_deg, eye, zerosd)
    t1 = _b1_call(in_feat, W1, cnt)
    p1 = _prop_kernel(t1, src_0, dst_n, zerosd)
    t2 = _mid_call(p1, cnt, b1.reshape(1, D), W2)
    p2 = _prop_kernel(t2, src_0, dst_n, zerosd)
    t3 = _mid_call(p2, cnt, b2.reshape(1, D), W3)
    p3 = _prop_kernel(t3, src_0, dst_n, zerosd)
    return _out_call(p3, cnt, b3.reshape(1, D), gamma.reshape(1, D),
                     beta.reshape(1, D))

# --- scband reference (transcript-rebuilt; emitter-appended) ---
"""Pipeline reference for scband-gcn-19396072309042 (READ-ONLY COPY).

The authoritative reference and input builder live on the scoring server;
editing this copy changes nothing except your own understanding.
"""

import jax, jax.numpy as jnp
import numpy as np

N_NODES = 10000
N_EDGES = 320000
D = 128


def setup_inputs(seed: int = 0) -> dict:
    key = jax.random.key(seed)
    ks = jax.random.split(key, 12)
    in_feat = jax.random.normal(ks[0], (N_NODES, D), dtype=jnp.float32)
    edge_index = jax.random.randint(ks[1], (2, N_EDGES), 0, N_NODES, dtype=jnp.int64)
    s = 1.0 / np.sqrt(D)
    W1 = jax.random.uniform(ks[2], (D, D), jnp.float32, -s, s)
    b1 = jnp.zeros((D,), jnp.float32)
    W2 = jax.random.uniform(ks[3], (D, D), jnp.float32, -s, s)
    b2 = jnp.zeros((D,), jnp.float32)
    W3 = jax.random.uniform(ks[4], (D, D), jnp.float32, -s, s)
    b3 = jnp.zeros((D,), jnp.float32)
    gamma = jnp.ones((D,), jnp.float32)
    beta = jnp.zeros((D,), jnp.float32)
    return {"in_feat": in_feat, "edge_index": edge_index, "W1": W1, "b1": b1,
            "W2": W2, "b2": b2, "W3": W3, "b3": b3, "gamma": gamma, "beta": beta}


def _graph_conv(x, src, dst, W, b, n_nodes):
    # DGL GraphConv with norm='both': h = D_in^{-1/2} A D_out^{-1/2} x W + b
    ones = jnp.ones((src.shape[0],), jnp.float32)
    deg_out = jnp.clip(jnp.zeros((n_nodes,), jnp.float32).at[src].add(ones), 1.0)
    deg_in = jnp.clip(jnp.zeros((n_nodes,), jnp.float32).at[dst].add(ones), 1.0)
    h = x * (deg_out ** -0.5)[:, None]
    msg = jnp.take(h, src, axis=0)
    agg = jnp.zeros((n_nodes, h.shape[1]), h.dtype).at[dst].add(msg)
    agg = agg * (deg_in ** -0.5)[:, None]
    return agg @ W + b


def _layer_norm(x, gamma, beta, eps=1e-5):
    mu = jnp.mean(x, axis=-1, keepdims=True)
    var = jnp.var(x, axis=-1, keepdims=True)
    return (x - mu) / jnp.sqrt(var + eps) * gamma + beta


def reference(in_feat, edge_index, W1, b1, W2, b2, W3, b3, gamma, beta):
    src = edge_index[0]
    dst = edge_index[1]
    n = in_feat.shape[0]
    h = _graph_conv(in_feat, src, dst, W1, b1, n)   # conv1
    h = _graph_conv(h, src, dst, W2, b2, n)          # conv_hs[0]
    h = _graph_conv(h, src, dst, W3, b3, n)          # conv_out
    h = _layer_norm(h, gamma, beta)
    return h

if __name__ == "__main__":
    import jax
    _d = setup_inputs()
    print(jax.jit(kernel)(*tuple(_d.values())))

</pallas_src>

<mosaic_0001>
#map = affine_map<(d0, d1) -> (0, 0)>
#map1 = affine_map<(d0, d1) -> (0, 0, 0)>
module attributes {stable_mosaic.version = 14 : i64} {
  func.func @_prop_body(%arg0: i32, %arg1: i32, %arg2: memref<10000x128xf32, #tpu.memory_space<hbm>>, %arg3: memref<32x79x128xi32, #tpu.memory_space<hbm>>, %arg4: memref<32x79x128xi32, #tpu.memory_space<hbm>>, %arg5: memref<10112x128xf32, #tpu.memory_space<hbm>>, %arg6: memref<2x10112x128xf32, #tpu.memory_space<hbm>>, %arg7: memref<79x128xi32, #tpu.memory_space<vmem>>, %arg8: memref<79x128xi32, #tpu.memory_space<vmem>>, %arg9: memref<128x128xf32, #tpu.memory_space<vmem>>, %arg10: memref<10112x128xf32, #tpu.memory_space<vmem_shared>>, %arg11: memref<!tpu.dma_semaphore, #tpu.memory_space<semaphore_mem>>) attributes {dimension_semantics = [#tpu.dimension_semantics<core_parallel>, #tpu.dimension_semantics<subcore_parallel>], iteration_bounds = array<i64: 2, 16>, scalar_prefetch = 0 : i64, scratch_operands = 5 : i64, tpu.core_type = #tpu.core_type<sc_vector_subcore>, window_params = [{transform_indices = #map}, {transform_indices = #map1}, {transform_indices = #map1}, {transform_indices = #map}, {transform_indices = #map1}]} {
    %mul3A = arith.constant 16 : i32
    %mul3A_0 = arith.muli %arg0, %mul3A : i32
    %add3A = arith.addi %mul3A_0, %arg1 : i32
    %mul3A_1 = arith.constant 632 : i32
    %mul3A_2 = arith.muli %arg1, %mul3A_1 : i32
    "tpu.region"() ({
      %run_scoped3A = tpu.sem_alloc : memref<!tpu.dma_semaphore, #tpu.memory_space<semaphore_mem>>
      %dma_start3A = arith.constant 0 : i32
      %dma_start3A_9 = tpu.memref_slice %arg10[%mul3A_2, %dma_start3A] : memref<10112x128xf32, #tpu.memory_space<vmem_shared>> -> memref<632x128xf32, #tpu.memory_space<vmem_shared>>
      %dma_start3A_10 = arith.constant 0 : i32
      %dma_start3A_11 = tpu.memref_slice %arg5[%mul3A_2, %dma_start3A_10] : memref<10112x128xf32, #tpu.memory_space<hbm>> -> memref<632x128xf32, #tpu.memory_space<hbm>>
      tpu.enqueue_dma source(%dma_start3A_11 : memref<632x128xf32, #tpu.memory_space<hbm>>) target(%dma_start3A_9 : memref<632x128xf32, #tpu.memory_space<vmem_shared>>) target_semaphore(%run_scoped3A : memref<!tpu.dma_semaphore, #tpu.memory_space<semaphore_mem>>)
      %dma_wait3A = arith.constant 0 : i32
      %dma_wait3A_12 = tpu.memref_slice %arg10[%mul3A_2, %dma_wait3A] : memref<10112x128xf32, #tpu.memory_space<vmem_shared>> -> memref<632x128xf32, #tpu.memory_space<vmem_shared>>
      %dma_wait3A_13 = arith.constant 0 : i32
      %dma_wait3A_14 = tpu.memref_slice %arg5[%mul3A_2, %dma_wait3A_13] : memref<10112x128xf32, #tpu.memory_space<hbm>> -> memref<632x128xf32, #tpu.memory_space<hbm>>
      tpu.wait_dma2 semaphore(%run_scoped3A : memref<!tpu.dma_semaphore, #tpu.memory_space<semaphore_mem>>) src(%dma_wait3A_14 : memref<632x128xf32, #tpu.memory_space<hbm>>) dst(%dma_wait3A_12 : memref<632x128xf32, #tpu.memory_space<vmem_shared>>)
      tpu.yield
    }) : () -> ()
    "tpu.region"() ({
      %run_scoped3A = tpu.sem_alloc : memref<!tpu.dma_semaphore, #tpu.memory_space<semaphore_mem>>
      %dma_start3A = arith.constant 0 : i32
      %dma_start3A_9 = arith.constant 0 : i32
      %dma_start3A_10 = tpu.memref_slice %arg3[%add3A, %dma_start3A, %dma_start3A_9] : memref<32x79x128xi32, #tpu.memory_space<hbm>> -> memref<1x79x128xi32, #tpu.memory_space<hbm>>
      %dma_start3A_11 = tpu.memref_squeeze %dma_start3A_10 : memref<1x79x128xi32, #tpu.memory_space<hbm>> -> memref<79x128xi32, #tpu.memory_space<hbm>>
      %dma_start3A_12 = arith.constant 0 : i32
      %dma_start3A_13 = arith.constant 0 : i32
      %dma_start3A_14 = tpu.memref_slice %arg3[%add3A, %dma_start3A_12, %dma_start3A_13] : memref<32x79x128xi32, #tpu.memory_space<hbm>> -> memref<1x79x128xi32, #tpu.memory_space<hbm>>
      %dma_start3A_15 = tpu.memref_squeeze %dma_start3A_14 : memref<1x79x128xi32, #tpu.memory_space<hbm>> -> memref<79x128xi32, #tpu.memory_space<hbm>>
      tpu.enqueue_dma source(%dma_start3A_15 : memref<79x128xi32, #tpu.memory_space<hbm>>) target(%arg7 : memref<79x128xi32, #tpu.memory_space<vmem>>) target_semaphore(%run_scoped3A : memref<!tpu.dma_semaphore, #tpu.memory_space<semaphore_mem>>)
      %dma_wait3A = arith.constant 0 : i32
      %dma_wait3A_16 = arith.constant 0 : i32
      %dma_wait3A_17 = tpu.memref_slice %arg3[%add3A, %dma_wait3A, %dma_wait3A_16] : memref<32x79x128xi32, #tpu.memory_space<hbm>> -> memref<1x79x128xi32, #tpu.memory_space<hbm>>
      %dma_wait3A_18 = tpu.memref_squeeze %dma_wait3A_17 : memref<1x79x128xi32, #tpu.memory_space<hbm>> -> memref<79x128xi32, #tpu.memory_space<hbm>>
      %dma_wait3A_19 = arith.constant 0 : i32
      %dma_wait3A_20 = arith.constant 0 : i32
      %dma_wait3A_21 = tpu.memref_slice %arg3[%add3A, %dma_wait3A_19, %dma_wait3A_20] : memref<32x79x128xi32, #tpu.memory_space<hbm>> -> memref<1x79x128xi32, #tpu.memory_space<hbm>>
      %dma_wait3A_22 = tpu.memref_squeeze %dma_wait3A_21 : memref<1x79x128xi32, #tpu.memory_space<hbm>> -> memref<79x128xi32, #tpu.memory_space<hbm>>
      tpu.wait_dma2 semaphore(%run_scoped3A : memref<!tpu.dma_semaphore, #tpu.memory_space<semaphore_mem>>) src(%dma_wait3A_22 : memref<79x128xi32, #tpu.memory_space<hbm>>) dst(%arg7 : memref<79x128xi32, #tpu.memory_space<vmem>>)
      tpu.yield
    }) : () -> ()
    "tpu.region"() ({
      %run_scoped3A = tpu.sem_alloc : memref<!tpu.dma_semaphore, #tpu.memory_space<semaphore_mem>>
      %dma_start3A = arith.constant 0 : i32
      %dma_start3A_9 = arith.constant 0 : i32
      %dma_start3A_10 = tpu.memref_slice %arg4[%add3A, %dma_start3A, %dma_start3A_9] : memref<32x79x128xi32, #tpu.memory_space<hbm>> -> memref<1x79x128xi32, #tpu.memory_space<hbm>>
      %dma_start3A_11 = tpu.memref_squeeze %dma_start3A_10 : memref<1x79x128xi32, #tpu.memory_space<hbm>> -> memref<79x128xi32, #tpu.memory_space<hbm>>
      %dma_start3A_12 = arith.constant 0 : i32
      %dma_start3A_13 = arith.constant 0 : i32
      %dma_start3A_14 = tpu.memref_slice %arg4[%add3A, %dma_start3A_12, %dma_start3A_13] : memref<32x79x128xi32, #tpu.memory_space<hbm>> -> memref<1x79x128xi32, #tpu.memory_space<hbm>>
      %dma_start3A_15 = tpu.memref_squeeze %dma_start3A_14 : memref<1x79x128xi32, #tpu.memory_space<hbm>> -> memref<79x128xi32, #tpu.memory_space<hbm>>
      tpu.enqueue_dma source(%dma_start3A_15 : memref<79x128xi32, #tpu.memory_space<hbm>>) target(%arg8 : memref<79x128xi32, #tpu.memory_space<vmem>>) target_semaphore(%run_scoped3A : memref<!tpu.dma_semaphore, #tpu.memory_space<semaphore_mem>>)
      %dma_wait3A = arith.constant 0 : i32
      %dma_wait3A_16 = arith.constant 0 : i32
      %dma_wait3A_17 = tpu.memref_slice %arg4[%add3A, %dma_wait3A, %dma_wait3A_16] : memref<32x79x128xi32, #tpu.memory_space<hbm>> -> memref<1x79x128xi32, #tpu.memory_space<hbm>>
      %dma_wait3A_18 = tpu.memref_squeeze %dma_wait3A_17 : memref<1x79x128xi32, #tpu.memory_space<hbm>> -> memref<79x128xi32, #tpu.memory_space<hbm>>
      %dma_wait3A_19 = arith.constant 0 : i32
      %dma_wait3A_20 = arith.constant 0 : i32
      %dma_wait3A_21 = tpu.memref_slice %arg4[%add3A, %dma_wait3A_19, %dma_wait3A_20] : memref<32x79x128xi32, #tpu.memory_space<hbm>> -> memref<1x79x128xi32, #tpu.memory_space<hbm>>
      %dma_wait3A_22 = tpu.memref_squeeze %dma_wait3A_21 : memref<1x79x128xi32, #tpu.memory_space<hbm>> -> memref<79x128xi32, #tpu.memory_space<hbm>>
      tpu.wait_dma2 semaphore(%run_scoped3A : memref<!tpu.dma_semaphore, #tpu.memory_space<semaphore_mem>>) src(%dma_wait3A_22 : memref<79x128xi32, #tpu.memory_space<hbm>>) dst(%arg8 : memref<79x128xi32, #tpu.memory_space<vmem>>)
      tpu.yield
    }) : () -> ()
    %barrier3A = arith.constant 0 : index
    tpu.barrier barrier_id(%barrier3A)
    %scan3A = arith.constant 0 : i32
    %scan3A_3 = arith.constant 0 : i32
    %scan3A_4 = arith.constant 79 : i32
    %scan3A_5 = arith.addi %scan3A_3, %scan3A_4 : i32
    %scan3A_6 = arith.constant 1 : i32
    scf.for %scan3A_9 = %scan3A_3 to %scan3A_5 step %scan3A_6  : i32 {
      %dma_start3A = arith.constant 0 : i32
      %dma_start3A_10 = tpu.memref_slice %arg7[%scan3A_9, %dma_start3A] : memref<79x128xi32, #tpu.memory_space<vmem>> -> memref<1x128xi32, #tpu.memory_space<vmem>>
      %dma_start3A_11 = tpu.memref_squeeze %dma_start3A_10 : memref<1x128xi32, #tpu.memory_space<vmem>> -> memref<128xi32, #tpu.memory_space<vmem>>
      %dma_start3A_12 = arith.constant 0 : i32
      %dma_start3A_13 = arith.constant 0 : i32
      %dma_start3A_14 = tpu.memref_slice %arg2[%dma_start3A_12, %dma_start3A_13] : memref<10000x128xf32, #tpu.memory_space<hbm>> -> memref<10000x128xf32, #tpu.memory_space<hbm>>
      tpu.enqueue_indirect_dma source(%dma_start3A_14 : memref<10000x128xf32, #tpu.memory_space<hbm>>) target(%arg9 : memref<128x128xf32, #tpu.memory_space<vmem>>) offsets(%dma_start3A_11 : memref<128xi32, #tpu.memory_space<vmem>>) semaphore(%arg11 : memref<!tpu.dma_semaphore, #tpu.memory_space<semaphore_mem>>)
      %dma_wait3A = arith.constant 0 : i32
      %dma_wait3A_15 = tpu.memref_slice %arg7[%scan3A_9, %dma_wait3A] : memref<79x128xi32, #tpu.memory_space<vmem>> -> memref<1x128xi32, #tpu.memory_space<vmem>>
      %dma_wait3A_16 = tpu.memref_squeeze %dma_wait3A_15 : memref<1x128xi32, #tpu.memory_space<vmem>> -> memref<128xi32, #tpu.memory_space<vmem>>
      %dma_wait3A_17 = arith.constant 0 : i32
      %dma_wait3A_18 = arith.constant 0 : i32
      %dma_wait3A_19 = tpu.memref_slice %arg2[%dma_wait3A_17, %dma_wait3A_18] : memref<10000x128xf32, #tpu.memory_space<hbm>> -> memref<10000x128xf32, #tpu.memory_space<hbm>>
      tpu.wait_indirect_dma semaphore(%arg11 : memref<!tpu.dma_semaphore, #tpu.memory_space<semaphore_mem>>) src(%dma_wait3A_19 : memref<10000x128xf32, #tpu.memory_space<hbm>>) dst(%arg9 : memref<128x128xf32, #tpu.memory_space<vmem>>)
      "tpu.region"() ({
        %run_scoped3A = tpu.sem_alloc : memref<!tpu.dma_semaphore, #tpu.memory_space<semaphore_mem>>
        %dma_start3A_20 = arith.constant 0 : i32
        %dma_start3A_21 = tpu.memref_slice %arg8[%scan3A_9, %dma_start3A_20] : memref<79x128xi32, #tpu.memory_space<vmem>> -> memref<1x128xi32, #tpu.memory_space<vmem>>
        %dma_start3A_22 = tpu.memref_squeeze %dma_start3A_21 : memref<1x128xi32, #tpu.memory_space<vmem>> -> memref<128xi32, #tpu.memory_space<vmem>>
        %dma_start3A_23 = arith.constant 0 : i32
        %dma_start3A_24 = arith.constant 0 : i32
        %dma_start3A_25 = tpu.memref_slice %arg10[%dma_start3A_23, %dma_start3A_24] : memref<10112x128xf32, #tpu.memory_space<vmem_shared>> -> memref<10112x128xf32, #tpu.memory_space<vmem_shared>>
        tpu.enqueue_indirect_dma source(%arg9 : memref<128x128xf32, #tpu.memory_space<vmem>>) target(%dma_start3A_25 : memref<10112x128xf32, #tpu.memory_space<vmem_shared>>) offsets(%dma_start3A_22 : memref<128xi32, #tpu.memory_space<vmem>>) semaphore(%run_scoped3A : memref<!tpu.dma_semaphore, #tpu.memory_space<semaphore_mem>>) {add = true}
        %dma_wait3A_26 = arith.constant 0 : i32
        %dma_wait3A_27 = tpu.memref_slice %arg8[%scan3A_9, %dma_wait3A_26] : memref<79x128xi32, #tpu.memory_space<vmem>> -> memref<1x128xi32, #tpu.memory_space<vmem>>
        %dma_wait3A_28 = tpu.memref_squeeze %dma_wait3A_27 : memref<1x128xi32, #tpu.memory_space<vmem>> -> memref<128xi32, #tpu.memory_space<vmem>>
        %dma_wait3A_29 = arith.constant 0 : i32
        %dma_wait3A_30 = arith.constant 0 : i32
        %dma_wait3A_31 = tpu.memref_slice %arg10[%dma_wait3A_29, %dma_wait3A_30] : memref<10112x128xf32, #tpu.memory_space<vmem_shared>> -> memref<10112x128xf32, #tpu.memory_space<vmem_shared>>
        tpu.wait_indirect_dma semaphore(%run_scoped3A : memref<!tpu.dma_semaphore, #tpu.memory_space<semaphore_mem>>) src(%arg9 : memref<128x128xf32, #tpu.memory_space<vmem>>) dst(%dma_wait3A_31 : memref<10112x128xf32, #tpu.memory_space<vmem_shared>>)
        tpu.yield
      }) : () -> ()
    }
    %scan3A_7 = arith.constant 79 : i32
    %barrier3A_8 = arith.constant 0 : index
    tpu.barrier barrier_id(%barrier3A_8)
    "tpu.region"() ({
      %run_scoped3A = tpu.sem_alloc : memref<!tpu.dma_semaphore, #tpu.memory_space<semaphore_mem>>
      %dma_start3A = arith.constant 0 : i32
      %dma_start3A_9 = tpu.memref_slice %arg6[%arg0, %mul3A_2, %dma_start3A] : memref<2x10112x128xf32, #tpu.memory_space<hbm>> -> memref<1x632x128xf32, #tpu.memory_space<hbm>>
      %dma_start3A_10 = tpu.memref_squeeze %dma_start3A_9 : memref<1x632x128xf32, #tpu.memory_space<hbm>> -> memref<632x128xf32, #tpu.memory_space<hbm>>
      %dma_start3A_11 = arith.constant 0 : i32
      %dma_start3A_12 = tpu.memref_slice %arg10[%mul3A_2, %dma_start3A_11] : memref<10112x128xf32, #tpu.memory_space<vmem_shared>> -> memref<632x128xf32, #tpu.memory_space<vmem_shared>>
      tpu.enqueue_dma source(%dma_start3A_12 : memref<632x128xf32, #tpu.memory_space<vmem_shared>>) target(%dma_start3A_10 : memref<632x128xf32, #tpu.memory_space<hbm>>) target_semaphore(%run_scoped3A : memref<!tpu.dma_semaphore, #tpu.memory_space<semaphore_mem>>)
      %dma_wait3A = arith.constant 0 : i32
      %dma_wait3A_13 = tpu.memref_slice %arg6[%arg0, %mul3A_2, %dma_wait3A] : memref<2x10112x128xf32, #tpu.memory_space<hbm>> -> memref<1x632x128xf32, #tpu.memory_space<hbm>>
      %dma_wait3A_14 = tpu.memref_squeeze %dma_wait3A_13 : memref<1x632x128xf32, #tpu.memory_space<hbm>> -> memref<632x128xf32, #tpu.memory_space<hbm>>
      %dma_wait3A_15 = arith.constant 0 : i32
      %dma_wait3A_16 = tpu.memref_slice %arg10[%mul3A_2, %dma_wait3A_15] : memref<10112x128xf32, #tpu.memory_space<vmem_shared>> -> memref<632x128xf32, #tpu.memory_space<vmem_shared>>
      tpu.wait_dma2 semaphore(%run_scoped3A : memref<!tpu.dma_semaphore, #tpu.memory_space<semaphore_mem>>) src(%dma_wait3A_16 : memref<632x128xf32, #tpu.memory_space<vmem_shared>>) dst(%dma_wait3A_14 : memref<632x128xf32, #tpu.memory_space<hbm>>)
      tpu.yield
    }) : () -> ()
    return
  }
}

#map = affine_map<(d0, d1) -> (0, 0, 0, 0)>
#map1 = affine_map<(d0, d1) -> (0, 0, 0)>
#map2 = affine_map<(d0, d1) -> (0, 0)>
module attributes {stable_mosaic.version = 14 : i64} {
  func.func @_deg_body(%arg0: i32, %arg1: i32, %arg2: memref<32x79x2x128xi32, #tpu.memory_space<hbm>>, %arg3: memref<2x128x128xf32, #tpu.memory_space<hbm>>, %arg4: memref<10112x128xf32, #tpu.memory_space<hbm>>, %arg5: memref<2x10112x128xf32, #tpu.memory_space<hbm>>, %arg6: memref<2x128xi32, #tpu.memory_space<vmem>>, %arg7: memref<128x128xf32, #tpu.memory_space<vmem>>, %arg8: memref<128x128xf32, #tpu.memory_space<vmem>>, %arg9: memref<10112x128xf32, #tpu.memory_space<vmem_shared>>, %arg10: memref<!tpu.dma_semaphore, #tpu.memory_space<semaphore_mem>>) attributes {dimension_semantics = [#tpu.dimension_semantics<core_parallel>, #tpu.dimension_semantics<subcore_parallel>], iteration_bounds = array<i64: 2, 16>, scalar_prefetch = 0 : i64, scratch_operands = 5 : i64, tpu.core_type = #tpu.core_type<sc_vector_subcore>, window_params = [{transform_indices = #map}, {transform_indices = #map1}, {transform_indices = #map2}, {transform_indices = #map1}]} {
    %mul3A = arith.constant 16 : i32
    %mul3A_0 = arith.muli %arg0, %mul3A : i32
    %add3A = arith.addi %mul3A_0, %arg1 : i32
    %mul3A_1 = arith.constant 632 : i32
    %mul3A_2 = arith.muli %arg1, %mul3A_1 : i32
    "tpu.region"() ({
      %run_scoped3A_10 = tpu.sem_alloc : memref<!tpu.dma_semaphore, #tpu.memory_space<semaphore_mem>>
      %dma_start3A = arith.constant 0 : i32
      %dma_start3A_11 = tpu.memref_slice %arg9[%mul3A_2, %dma_start3A] : memref<10112x128xf32, #tpu.memory_space<vmem_shared>> -> memref<632x128xf32, #tpu.memory_space<vmem_shared>>
      %dma_start3A_12 = arith.constant 0 : i32
      %dma_start3A_13 = tpu.memref_slice %arg4[%mul3A_2, %dma_start3A_12] : memref<10112x128xf32, #tpu.memory_space<hbm>> -> memref<632x128xf32, #tpu.memory_space<hbm>>
      tpu.enqueue_dma source(%dma_start3A_13 : memref<632x128xf32, #tpu.memory_space<hbm>>) target(%dma_start3A_11 : memref<632x128xf32, #tpu.memory_space<vmem_shared>>) target_semaphore(%run_scoped3A_10 : memref<!tpu.dma_semaphore, #tpu.memory_space<semaphore_mem>>)
      %dma_wait3A = arith.constant 0 : i32
      %dma_wait3A_14 = tpu.memref_slice %arg9[%mul3A_2, %dma_wait3A] : memref<10112x128xf32, #tpu.memory_space<vmem_shared>> -> memref<632x128xf32, #tpu.memory_space<vmem_shared>>
      %dma_wait3A_15 = arith.constant 0 : i32
      %dma_wait3A_16 = tpu.memref_slice %arg4[%mul3A_2, %dma_wait3A_15] : memref<10112x128xf32, #tpu.memory_space<hbm>> -> memref<632x128xf32, #tpu.memory_space<hbm>>
      tpu.wait_dma2 semaphore(%run_scoped3A_10 : memref<!tpu.dma_semaphore, #tpu.memory_space<semaphore_mem>>) src(%dma_wait3A_16 : memref<632x128xf32, #tpu.memory_space<hbm>>) dst(%dma_wait3A_14 : memref<632x128xf32, #tpu.memory_space<vmem_shared>>)
      tpu.yield
    }) : () -> ()
    %run_scoped3A = arith.constant 0 : i32
    "tpu.region"() ({
      %run_scoped3A_10 = tpu.sem_alloc : memref<!tpu.dma_semaphore, #tpu.memory_space<semaphore_mem>>
      %dma_start3A = arith.constant 0 : i32
      %dma_start3A_11 = arith.constant 0 : i32
      %dma_start3A_12 = tpu.memref_slice %arg3[%run_scoped3A, %dma_start3A, %dma_start3A_11] : memref<2x128x128xf32, #tpu.memory_space<hbm>> -> memref<1x128x128xf32, #tpu.memory_space<hbm>>
      %dma_start3A_13 = tpu.memref_squeeze %dma_start3A_12 : memref<1x128x128xf32, #tpu.memory_space<hbm>> -> memref<128x128xf32, #tpu.memory_space<hbm>>
      %dma_start3A_14 = arith.constant 0 : i32
      %dma_start3A_15 = arith.constant 0 : i32
      %dma_start3A_16 = tpu.memref_slice %arg3[%run_scoped3A, %dma_start3A_14, %dma_start3A_15] : memref<2x128x128xf32, #tpu.memory_space<hbm>> -> memref<1x128x128xf32, #tpu.memory_space<hbm>>
      %dma_start3A_17 = tpu.memref_squeeze %dma_start3A_16 : memref<1x128x128xf32, #tpu.memory_space<hbm>> -> memref<128x128xf32, #tpu.memory_space<hbm>>
      tpu.enqueue_dma source(%dma_start3A_17 : memref<128x128xf32, #tpu.memory_space<hbm>>) target(%arg7 : memref<128x128xf32, #tpu.memory_space<vmem>>) target_semaphore(%run_scoped3A_10 : memref<!tpu.dma_semaphore, #tpu.memory_space<semaphore_mem>>)
      %dma_wait3A = arith.constant 0 : i32
      %dma_wait3A_18 = arith.constant 0 : i32
      %dma_wait3A_19 = tpu.memref_slice %arg3[%run_scoped3A, %dma_wait3A, %dma_wait3A_18] : memref<2x128x128xf32, #tpu.memory_space<hbm>> -> memref<1x128x128xf32, #tpu.memory_space<hbm>>
      %dma_wait3A_20 = tpu.memref_squeeze %dma_wait3A_19 : memref<1x128x128xf32, #tpu.memory_space<hbm>> -> memref<128x128xf32, #tpu.memory_space<hbm>>
      %dma_wait3A_21 = arith.constant 0 : i32
      %dma_wait3A_22 = arith.constant 0 : i32
      %dma_wait3A_23 = tpu.memref_slice %arg3[%run_scoped3A, %dma_wait3A_21, %dma_wait3A_22] : memref<2x128x128xf32, #tpu.memory_space<hbm>> -> memref<1x128x128xf32, #tpu.memory_space<hbm>>
      %dma_wait3A_24 = tpu.memref_squeeze %dma_wait3A_23 : memref<1x128x128xf32, #tpu.memory_space<hbm>> -> memref<128x128xf32, #tpu.memory_space<hbm>>
      tpu.wait_dma2 semaphore(%run_scoped3A_10 : memref<!tpu.dma_semaphore, #tpu.memory_space<semaphore_mem>>) src(%dma_wait3A_24 : memref<128x128xf32, #tpu.memory_space<hbm>>) dst(%arg7 : memref<128x128xf32, #tpu.memory_space<vmem>>)
      tpu.yield
    }) : () -> ()
    %run_scoped3A_3 = arith.constant 1 : i32
    "tpu.region"() ({
      %run_scoped3A_10 = tpu.sem_alloc : memref<!tpu.dma_semaphore, #tpu.memory_space<semaphore_mem>>
      %dma_start3A = arith.constant 0 : i32
      %dma_start3A_11 = arith.constant 0 : i32
      %dma_start3A_12 = tpu.memref_slice %arg3[%run_scoped3A_3, %dma_start3A, %dma_start3A_11] : memref<2x128x128xf32, #tpu.memory_space<hbm>> -> memref<1x128x128xf32, #tpu.memory_space<hbm>>
      %dma_start3A_13 = tpu.memref_squeeze %dma_start3A_12 : memref<1x128x128xf32, #tpu.memory_space<hbm>> -> memref<128x128xf32, #tpu.memory_space<hbm>>
      %dma_start3A_14 = arith.constant 0 : i32
      %dma_start3A_15 = arith.constant 0 : i32
      %dma_start3A_16 = tpu.memref_slice %arg3[%run_scoped3A_3, %dma_start3A_14, %dma_start3A_15] : memref<2x128x128xf32, #tpu.memory_space<hbm>> -> memref<1x128x128xf32, #tpu.memory_space<hbm>>
      %dma_start3A_17 = tpu.memref_squeeze %dma_start3A_16 : memref<1x128x128xf32, #tpu.memory_space<hbm>> -> memref<128x128xf32, #tpu.memory_space<hbm>>
      tpu.enqueue_dma source(%dma_start3A_17 : memref<128x128xf32, #tpu.memory_space<hbm>>) target(%arg8 : memref<128x128xf32, #tpu.memory_space<vmem>>) target_semaphore(%run_scoped3A_10 : memref<!tpu.dma_semaphore, #tpu.memory_space<semaphore_mem>>)
      %dma_wait3A = arith.constant 0 : i32
      %dma_wait3A_18 = arith.constant 0 : i32
      %dma_wait3A_19 = tpu.memref_slice %arg3[%run_scoped3A_3, %dma_wait3A, %dma_wait3A_18] : memref<2x128x128xf32, #tpu.memory_space<hbm>> -> memref<1x128x128xf32, #tpu.memory_space<hbm>>
      %dma_wait3A_20 = tpu.memref_squeeze %dma_wait3A_19 : memref<1x128x128xf32, #tpu.memory_space<hbm>> -> memref<128x128xf32, #tpu.memory_space<hbm>>
      %dma_wait3A_21 = arith.constant 0 : i32
      %dma_wait3A_22 = arith.constant 0 : i32
      %dma_wait3A_23 = tpu.memref_slice %arg3[%run_scoped3A_3, %dma_wait3A_21, %dma_wait3A_22] : memref<2x128x128xf32, #tpu.memory_space<hbm>> -> memref<1x128x128xf32, #tpu.memory_space<hbm>>
      %dma_wait3A_24 = tpu.memref_squeeze %dma_wait3A_23 : memref<1x128x128xf32, #tpu.memory_space<hbm>> -> memref<128x128xf32, #tpu.memory_space<hbm>>
      tpu.wait_dma2 semaphore(%run_scoped3A_10 : memref<!tpu.dma_semaphore, #tpu.memory_space<semaphore_mem>>) src(%dma_wait3A_24 : memref<128x128xf32, #tpu.memory_space<hbm>>) dst(%arg8 : memref<128x128xf32, #tpu.memory_space<vmem>>)
      tpu.yield
    }) : () -> ()
    %barrier3A = arith.constant 0 : index
    tpu.barrier barrier_id(%barrier3A)
    %scan3A = arith.constant 0 : i32
    %scan3A_4 = arith.constant 0 : i32
    %scan3A_5 = arith.constant 79 : i32
    %scan3A_6 = arith.addi %scan3A_4, %scan3A_5 : i32
    %scan3A_7 = arith.constant 1 : i32
    scf.for %scan3A_10 = %scan3A_4 to %scan3A_6 step %scan3A_7  : i32 {
      %dma_start3A = arith.constant 0 : i32
      %dma_start3A_11 = arith.constant 0 : i32
      %dma_start3A_12 = tpu.memref_slice %arg2[%add3A, %scan3A_10, %dma_start3A, %dma_start3A_11] : memref<32x79x2x128xi32, #tpu.memory_space<hbm>> -> memref<1x1x2x128xi32, #tpu.memory_space<hbm>>
      %dma_start3A_13 = tpu.memref_squeeze %dma_start3A_12 : memref<1x1x2x128xi32, #tpu.memory_space<hbm>> -> memref<2x128xi32, #tpu.memory_space<hbm>>
      %dma_start3A_14 = arith.constant 0 : i32
      %dma_start3A_15 = arith.constant 0 : i32
      %dma_start3A_16 = tpu.memref_slice %arg2[%add3A, %scan3A_10, %dma_start3A_14, %dma_start3A_15] : memref<32x79x2x128xi32, #tpu.memory_space<hbm>> -> memref<1x1x2x128xi32, #tpu.memory_space<hbm>>
      %dma_start3A_17 = tpu.memref_squeeze %dma_start3A_16 : memref<1x1x2x128xi32, #tpu.memory_space<hbm>> -> memref<2x128xi32, #tpu.memory_space<hbm>>
      tpu.enqueue_dma source(%dma_start3A_17 : memref<2x128xi32, #tpu.memory_space<hbm>>) target(%arg6 : memref<2x128xi32, #tpu.memory_space<vmem>>) target_semaphore(%arg10 : memref<!tpu.dma_semaphore, #tpu.memory_space<semaphore_mem>>)
      %dma_wait3A = arith.constant 0 : i32
      %dma_wait3A_18 = arith.constant 0 : i32
      %dma_wait3A_19 = tpu.memref_slice %arg2[%add3A, %scan3A_10, %dma_wait3A, %dma_wait3A_18] : memref<32x79x2x128xi32, #tpu.memory_space<hbm>> -> memref<1x1x2x128xi32, #tpu.memory_space<hbm>>
      %dma_wait3A_20 = tpu.memref_squeeze %dma_wait3A_19 : memref<1x1x2x128xi32, #tpu.memory_space<hbm>> -> memref<2x128xi32, #tpu.memory_space<hbm>>
      %dma_wait3A_21 = arith.constant 0 : i32
      %dma_wait3A_22 = arith.constant 0 : i32
      %dma_wait3A_23 = tpu.memref_slice %arg2[%add3A, %scan3A_10, %dma_wait3A_21, %dma_wait3A_22] : memref<32x79x2x128xi32, #tpu.memory_space<hbm>> -> memref<1x1x2x128xi32, #tpu.memory_space<hbm>>
      %dma_wait3A_24 = tpu.memref_squeeze %dma_wait3A_23 : memref<1x1x2x128xi32, #tpu.memory_space<hbm>> -> memref<2x128xi32, #tpu.memory_space<hbm>>
      tpu.wait_dma2 semaphore(%arg10 : memref<!tpu.dma_semaphore, #tpu.memory_space<semaphore_mem>>) src(%dma_wait3A_24 : memref<2x128xi32, #tpu.memory_space<hbm>>) dst(%arg6 : memref<2x128xi32, #tpu.memory_space<vmem>>)
      %run_scoped3A_25 = arith.constant 0 : i32
      "tpu.region"() ({
        %run_scoped3A_27 = tpu.sem_alloc : memref<!tpu.dma_semaphore, #tpu.memory_space<semaphore_mem>>
        %dma_start3A_28 = arith.constant 0 : i32
        %dma_start3A_29 = tpu.memref_slice %arg6[%run_scoped3A_25, %dma_start3A_28] : memref<2x128xi32, #tpu.memory_space<vmem>> -> memref<1x128xi32, #tpu.memory_space<vmem>>
        %dma_start3A_30 = tpu.memref_squeeze %dma_start3A_29 : memref<1x128xi32, #tpu.memory_space<vmem>> -> memref<128xi32, #tpu.memory_space<vmem>>
        %dma_start3A_31 = arith.constant 0 : i32
        %dma_start3A_32 = arith.constant 0 : i32
        %dma_start3A_33 = tpu.memref_slice %arg9[%dma_start3A_31, %dma_start3A_32] : memref<10112x128xf32, #tpu.memory_space<vmem_shared>> -> memref<10112x128xf32, #tpu.memory_space<vmem_shared>>
        tpu.enqueue_indirect_dma source(%arg7 : memref<128x128xf32, #tpu.memory_space<vmem>>) target(%dma_start3A_33 : memref<10112x128xf32, #tpu.memory_space<vmem_shared>>) offsets(%dma_start3A_30 : memref<128xi32, #tpu.memory_space<vmem>>) semaphore(%run_scoped3A_27 : memref<!tpu.dma_semaphore, #tpu.memory_space<semaphore_mem>>) {add = true}
        %dma_wait3A_34 = arith.constant 0 : i32
        %dma_wait3A_35 = tpu.memref_slice %arg6[%run_scoped3A_25, %dma_wait3A_34] : memref<2x128xi32, #tpu.memory_space<vmem>> -> memref<1x128xi32, #tpu.memory_space<vmem>>
        %dma_wait3A_36 = tpu.memref_squeeze %dma_wait3A_35 : memref<1x128xi32, #tpu.memory_space<vmem>> -> memref<128xi32, #tpu.memory_space<vmem>>
        %dma_wait3A_37 = arith.constant 0 : i32
        %dma_wait3A_38 = arith.constant 0 : i32
        %dma_wait3A_39 = tpu.memref_slice %arg9[%dma_wait3A_37, %dma_wait3A_38] : memref<10112x128xf32, #tpu.memory_space<vmem_shared>> -> memref<10112x128xf32, #tpu.memory_space<vmem_shared>>
        tpu.wait_indirect_dma semaphore(%run_scoped3A_27 : memref<!tpu.dma_semaphore, #tpu.memory_space<semaphore_mem>>) src(%arg7 : memref<128x128xf32, #tpu.memory_space<vmem>>) dst(%dma_wait3A_39 : memref<10112x128xf32, #tpu.memory_space<vmem_shared>>)
        tpu.yield
      }) : () -> ()
      %run_scoped3A_26 = arith.constant 1 : i32
      "tpu.region"() ({
        %run_scoped3A_27 = tpu.sem_alloc : memref<!tpu.dma_semaphore, #tpu.memory_space<semaphore_mem>>
        %dma_start3A_28 = arith.constant 0 : i32
        %dma_start3A_29 = tpu.memref_slice %arg6[%run_scoped3A_26, %dma_start3A_28] : memref<2x128xi32, #tpu.memory_space<vmem>> -> memref<1x128xi32, #tpu.memory_space<vmem>>
        %dma_start3A_30 = tpu.memref_squeeze %dma_start3A_29 : memref<1x128xi32, #tpu.memory_space<vmem>> -> memref<128xi32, #tpu.memory_space<vmem>>
        %dma_start3A_31 = arith.constant 0 : i32
        %dma_start3A_32 = arith.constant 0 : i32
        %dma_start3A_33 = tpu.memref_slice %arg9[%dma_start3A_31, %dma_start3A_32] : memref<10112x128xf32, #tpu.memory_space<vmem_shared>> -> memref<10112x128xf32, #tpu.memory_space<vmem_shared>>
        tpu.enqueue_indirect_dma source(%arg8 : memref<128x128xf32, #tpu.memory_space<vmem>>) target(%dma_start3A_33 : memref<10112x128xf32, #tpu.memory_space<vmem_shared>>) offsets(%dma_start3A_30 : memref<128xi32, #tpu.memory_space<vmem>>) semaphore(%run_scoped3A_27 : memref<!tpu.dma_semaphore, #tpu.memory_space<semaphore_mem>>) {add = true}
        %dma_wait3A_34 = arith.constant 0 : i32
        %dma_wait3A_35 = tpu.memref_slice %arg6[%run_scoped3A_26, %dma_wait3A_34] : memref<2x128xi32, #tpu.memory_space<vmem>> -> memref<1x128xi32, #tpu.memory_space<vmem>>
        %dma_wait3A_36 = tpu.memref_squeeze %dma_wait3A_35 : memref<1x128xi32, #tpu.memory_space<vmem>> -> memref<128xi32, #tpu.memory_space<vmem>>
        %dma_wait3A_37 = arith.constant 0 : i32
        %dma_wait3A_38 = arith.constant 0 : i32
        %dma_wait3A_39 = tpu.memref_slice %arg9[%dma_wait3A_37, %dma_wait3A_38] : memref<10112x128xf32, #tpu.memory_space<vmem_shared>> -> memref<10112x128xf32, #tpu.memory_space<vmem_shared>>
        tpu.wait_indirect_dma semaphore(%run_scoped3A_27 : memref<!tpu.dma_semaphore, #tpu.memory_space<semaphore_mem>>) src(%arg8 : memref<128x128xf32, #tpu.memory_space<vmem>>) dst(%dma_wait3A_39 : memref<10112x128xf32, #tpu.memory_space<vmem_shared>>)
        tpu.yield
      }) : () -> ()
    }
    %scan3A_8 = arith.constant 79 : i32
    %barrier3A_9 = arith.constant 0 : index
    tpu.barrier barrier_id(%barrier3A_9)
    "tpu.region"() ({
      %run_scoped3A_10 = tpu.sem_alloc : memref<!tpu.dma_semaphore, #tpu.memory_space<semaphore_mem>>
      %dma_start3A = arith.constant 0 : i32
      %dma_start3A_11 = tpu.memref_slice %arg5[%arg0, %mul3A_2, %dma_start3A] : memref<2x10112x128xf32, #tpu.memory_space<hbm>> -> memref<1x632x128xf32, #tpu.memory_space<hbm>>
      %dma_start3A_12 = tpu.memref_squeeze %dma_start3A_11 : memref<1x632x128xf32, #tpu.memory_space<hbm>> -> memref<632x128xf32, #tpu.memory_space<hbm>>
      %dma_start3A_13 = arith.constant 0 : i32
      %dma_start3A_14 = tpu.memref_slice %arg9[%mul3A_2, %dma_start3A_13] : memref<10112x128xf32, #tpu.memory_space<vmem_shared>> -> memref<632x128xf32, #tpu.memory_space<vmem_shared>>
      tpu.enqueue_dma source(%dma_start3A_14 : memref<632x128xf32, #tpu.memory_space<vmem_shared>>) target(%dma_start3A_12 : memref<632x128xf32, #tpu.memory_space<hbm>>) target_semaphore(%run_scoped3A_10 : memref<!tpu.dma_semaphore, #tpu.memory_space<semaphore_mem>>)
      %dma_wait3A = arith.constant 0 : i32
      %dma_wait3A_15 = tpu.memref_slice %arg5[%arg0, %mul3A_2, %dma_wait3A] : memref<2x10112x128xf32, #tpu.memory_space<hbm>> -> memref<1x632x128xf32, #tpu.memory_space<hbm>>
      %dma_wait3A_16 = tpu.memref_squeeze %dma_wait3A_15 : memref<1x632x128xf32, #tpu.memory_space<hbm>> -> memref<632x128xf32, #tpu.memory_space<hbm>>
      %dma_wait3A_17 = arith.constant 0 : i32
      %dma_wait3A_18 = tpu.memref_slice %arg9[%mul3A_2, %dma_wait3A_17] : memref<10112x128xf32, #tpu.memory_space<vmem_shared>> -> memref<632x128xf32, #tpu.memory_space<vmem_shared>>
      tpu.wait_dma2 semaphore(%run_scoped3A_10 : memref<!tpu.dma_semaphore, #tpu.memory_space<semaphore_mem>>) src(%dma_wait3A_18 : memref<632x128xf32, #tpu.memory_space<vmem_shared>>) dst(%dma_wait3A_16 : memref<632x128xf32, #tpu.memory_space<hbm>>)
      tpu.yield
    }) : () -> ()
    return
  }
}

#map = affine_map<(d0, d1) -> (0, 0)>
#map1 = affine_map<(d0, d1) -> (0, 0, 0)>
module attributes {stable_mosaic.version = 14 : i64} {
  func.func @_prop_body(%arg0: i32, %arg1: i32, %arg2: memref<10000x128xf32, #tpu.memory_space<hbm>>, %arg3: memref<32x79x128xi32, #tpu.memory_space<hbm>>, %arg4: memref<32x79x128xi32, #tpu.memory_space<hbm>>, %arg5: memref<10112x128xf32, #tpu.memory_space<hbm>>, %arg6: memref<2x10112x128xf32, #tpu.memory_space<hbm>>, %arg7: memref<79x128xi32, #tpu.memory_space<vmem>>, %arg8: memref<79x128xi32, #tpu.memory_space<vmem>>, %arg9: memref<128x128xf32, #tpu.memory_space<vmem>>, %arg10: memref<10112x128xf32, #tpu.memory_space<vmem_shared>>, %arg11: memref<!tpu.dma_semaphore, #tpu.memory_space<semaphore_mem>>) attributes {dimension_semantics = [#tpu.dimension_semantics<core_parallel>, #tpu.dimension_semantics<subcore_parallel>], iteration_bounds = array<i64: 2, 16>, scalar_prefetch = 0 : i64, scratch_operands = 5 : i64, tpu.core_type = #tpu.core_type<sc_vector_subcore>, window_params = [{transform_indices = #map}, {transform_indices = #map1}, {transform_indices = #map1}, {transform_indices = #map}, {transform_indices = #map1}]} {
    %mul3A = arith.constant 16 : i32
    %mul3A_0 = arith.muli %arg0, %mul3A : i32
    %add3A = arith.addi %mul3A_0, %arg1 : i32
    %mul3A_1 = arith.constant 632 : i32
    %mul3A_2 = arith.muli %arg1, %mul3A_1 : i32
    "tpu.region"() ({
      %run_scoped3A = tpu.sem_alloc : memref<!tpu.dma_semaphore, #tpu.memory_space<semaphore_mem>>
      %dma_start3A = arith.constant 0 : i32
      %dma_start3A_9 = tpu.memref_slice %arg10[%mul3A_2, %dma_start3A] : memref<10112x128xf32, #tpu.memory_space<vmem_shared>> -> memref<632x128xf32, #tpu.memory_space<vmem_shared>>
      %dma_start3A_10 = arith.constant 0 : i32
      %dma_start3A_11 = tpu.memref_slice %arg5[%mul3A_2, %dma_start3A_10] : memref<10112x128xf32, #tpu.memory_space<hbm>> -> memref<632x128xf32, #tpu.memory_space<hbm>>
      tpu.enqueue_dma source(%dma_start3A_11 : memref<632x128xf32, #tpu.memory_space<hbm>>) target(%dma_start3A_9 : memref<632x128xf32, #tpu.memory_space<vmem_shared>>) target_semaphore(%run_scoped3A : memref<!tpu.dma_semaphore, #tpu.memory_space<semaphore_mem>>)
      %dma_wait3A = arith.constant 0 : i32
      %dma_wait3A_12 = tpu.memref_slice %arg10[%mul3A_2, %dma_wait3A] : memref<10112x128xf32, #tpu.memory_space<vmem_shared>> -> memref<632x128xf32, #tpu.memory_space<vmem_shared>>
      %dma_wait3A_13 = arith.constant 0 : i32
      %dma_wait3A_14 = tpu.memref_slice %arg5[%mul3A_2, %dma_wait3A_13] : memref<10112x128xf32, #tpu.memory_space<hbm>> -> memref<632x128xf32, #tpu.memory_space<hbm>>
      tpu.wait_dma2 semaphore(%run_scoped3A : memref<!tpu.dma_semaphore, #tpu.memory_space<semaphore_mem>>) src(%dma_wait3A_14 : memref<632x128xf32, #tpu.memory_space<hbm>>) dst(%dma_wait3A_12 : memref<632x128xf32, #tpu.memory_space<vmem_shared>>)
      tpu.yield
    }) : () -> ()
    "tpu.region"() ({
      %run_scoped3A = tpu.sem_alloc : memref<!tpu.dma_semaphore, #tpu.memory_space<semaphore_mem>>
      %dma_start3A = arith.constant 0 : i32
      %dma_start3A_9 = arith.constant 0 : i32
      %dma_start3A_10 = tpu.memref_slice %arg3[%add3A, %dma_start3A, %dma_start3A_9] : memref<32x79x128xi32, #tpu.memory_space<hbm>> -> memref<1x79x128xi32, #tpu.memory_space<hbm>>
      %dma_start3A_11 = tpu.memref_squeeze %dma_start3A_10 : memref<1x79x128xi32, #tpu.memory_space<hbm>> -> memref<79x128xi32, #tpu.memory_space<hbm>>
      %dma_start3A_12 = arith.constant 0 : i32
      %dma_start3A_13 = arith.constant 0 : i32
      %dma_start3A_14 = tpu.memref_slice %arg3[%add3A, %dma_start3A_12, %dma_start3A_13] : memref<32x79x128xi32, #tpu.memory_space<hbm>> -> memref<1x79x128xi32, #tpu.memory_space<hbm>>
      %dma_start3A_15 = tpu.memref_squeeze %dma_start3A_14 : memref<1x79x128xi32, #tpu.memory_space<hbm>> -> memref<79x128xi32, #tpu.memory_space<hbm>>
      tpu.enqueue_dma source(%dma_start3A_15 : memref<79x128xi32, #tpu.memory_space<hbm>>) target(%arg7 : memref<79x128xi32, #tpu.memory_space<vmem>>) target_semaphore(%run_scoped3A : memref<!tpu.dma_semaphore, #tpu.memory_space<semaphore_mem>>)
      %dma_wait3A = arith.constant 0 : i32
      %dma_wait3A_16 = arith.constant 0 : i32
      %dma_wait3A_17 = tpu.memref_slice %arg3[%add3A, %dma_wait3A, %dma_wait3A_16] : memref<32x79x128xi32, #tpu.memory_space<hbm>> -> memref<1x79x128xi32, #tpu.memory_space<hbm>>
      %dma_wait3A_18 = tpu.memref_squeeze %dma_wait3A_17 : memref<1x79x128xi32, #tpu.memory_space<hbm>> -> memref<79x128xi32, #tpu.memory_space<hbm>>
      %dma_wait3A_19 = arith.constant 0 : i32
      %dma_wait3A_20 = arith.constant 0 : i32
      %dma_wait3A_21 = tpu.memref_slice %arg3[%add3A, %dma_wait3A_19, %dma_wait3A_20] : memref<32x79x128xi32, #tpu.memory_space<hbm>> -> memref<1x79x128xi32, #tpu.memory_space<hbm>>
      %dma_wait3A_22 = tpu.memref_squeeze %dma_wait3A_21 : memref<1x79x128xi32, #tpu.memory_space<hbm>> -> memref<79x128xi32, #tpu.memory_space<hbm>>
      tpu.wait_dma2 semaphore(%run_scoped3A : memref<!tpu.dma_semaphore, #tpu.memory_space<semaphore_mem>>) src(%dma_wait3A_22 : memref<79x128xi32, #tpu.memory_space<hbm>>) dst(%arg7 : memref<79x128xi32, #tpu.memory_space<vmem>>)
      tpu.yield
    }) : () -> ()
    "tpu.region"() ({
      %run_scoped3A = tpu.sem_alloc : memref<!tpu.dma_semaphore, #tpu.memory_space<semaphore_mem>>
      %dma_start3A = arith.constant 0 : i32
      %dma_start3A_9 = arith.constant 0 : i32
      %dma_start3A_10 = tpu.memref_slice %arg4[%add3A, %dma_start3A, %dma_start3A_9] : memref<32x79x128xi32, #tpu.memory_space<hbm>> -> memref<1x79x128xi32, #tpu.memory_space<hbm>>
      %dma_start3A_11 = tpu.memref_squeeze %dma_start3A_10 : memref<1x79x128xi32, #tpu.memory_space<hbm>> -> memref<79x128xi32, #tpu.memory_space<hbm>>
      %dma_start3A_12 = arith.constant 0 : i32
      %dma_start3A_13 = arith.constant 0 : i32
      %dma_start3A_14 = tpu.memref_slice %arg4[%add3A, %dma_start3A_12, %dma_start3A_13] : memref<32x79x128xi32, #tpu.memory_space<hbm>> -> memref<1x79x128xi32, #tpu.memory_space<hbm>>
      %dma_start3A_15 = tpu.memref_squeeze %dma_start3A_14 : memref<1x79x128xi32, #tpu.memory_space<hbm>> -> memref<79x128xi32, #tpu.memory_space<hbm>>
      tpu.enqueue_dma source(%dma_start3A_15 : memref<79x128xi32, #tpu.memory_space<hbm>>) target(%arg8 : memref<79x128xi32, #tpu.memory_space<vmem>>) target_semaphore(%run_scoped3A : memref<!tpu.dma_semaphore, #tpu.memory_space<semaphore_mem>>)
      %dma_wait3A = arith.constant 0 : i32
      %dma_wait3A_16 = arith.constant 0 : i32
      %dma_wait3A_17 = tpu.memref_slice %arg4[%add3A, %dma_wait3A, %dma_wait3A_16] : memref<32x79x128xi32, #tpu.memory_space<hbm>> -> memref<1x79x128xi32, #tpu.memory_space<hbm>>
      %dma_wait3A_18 = tpu.memref_squeeze %dma_wait3A_17 : memref<1x79x128xi32, #tpu.memory_space<hbm>> -> memref<79x128xi32, #tpu.memory_space<hbm>>
      %dma_wait3A_19 = arith.constant 0 : i32
      %dma_wait3A_20 = arith.constant 0 : i32
      %dma_wait3A_21 = tpu.memref_slice %arg4[%add3A, %dma_wait3A_19, %dma_wait3A_20] : memref<32x79x128xi32, #tpu.memory_space<hbm>> -> memref<1x79x128xi32, #tpu.memory_space<hbm>>
      %dma_wait3A_22 = tpu.memref_squeeze %dma_wait3A_21 : memref<1x79x128xi32, #tpu.memory_space<hbm>> -> memref<79x128xi32, #tpu.memory_space<hbm>>
      tpu.wait_dma2 semaphore(%run_scoped3A : memref<!tpu.dma_semaphore, #tpu.memory_space<semaphore_mem>>) src(%dma_wait3A_22 : memref<79x128xi32, #tpu.memory_space<hbm>>) dst(%arg8 : memref<79x128xi32, #tpu.memory_space<vmem>>)
      tpu.yield
    }) : () -> ()
    %barrier3A = arith.constant 0 : index
    tpu.barrier barrier_id(%barrier3A)
    %scan3A = arith.constant 0 : i32
    %scan3A_3 = arith.constant 0 : i32
    %scan3A_4 = arith.constant 79 : i32
    %scan3A_5 = arith.addi %scan3A_3, %scan3A_4 : i32
    %scan3A_6 = arith.constant 1 : i32
    scf.for %scan3A_9 = %scan3A_3 to %scan3A_5 step %scan3A_6  : i32 {
      %dma_start3A = arith.constant 0 : i32
      %dma_start3A_10 = tpu.memref_slice %arg7[%scan3A_9, %dma_start3A] : memref<79x128xi32, #tpu.memory_space<vmem>> -> memref<1x128xi32, #tpu.memory_space<vmem>>
      %dma_start3A_11 = tpu.memref_squeeze %dma_start3A_10 : memref<1x128xi32, #tpu.memory_space<vmem>> -> memref<128xi32, #tpu.memory_space<vmem>>
      %dma_start3A_12 = arith.constant 0 : i32
      %dma_start3A_13 = arith.constant 0 : i32
      %dma_start3A_14 = tpu.memref_slice %arg2[%dma_start3A_12, %dma_start3A_13] : memref<10000x128xf32, #tpu.memory_space<hbm>> -> memref<10000x128xf32, #tpu.memory_space<hbm>>
      tpu.enqueue_indirect_dma source(%dma_start3A_14 : memref<10000x128xf32, #tpu.memory_space<hbm>>) target(%arg9 : memref<128x128xf32, #tpu.memory_space<vmem>>) offsets(%dma_start3A_11 : memref<128xi32, #tpu.memory_space<vmem>>) semaphore(%arg11 : memref<!tpu.dma_semaphore, #tpu.memory_space<semaphore_mem>>)
      %dma_wait3A = arith.constant 0 : i32
      %dma_wait3A_15 = tpu.memref_slice %arg7[%scan3A_9, %dma_wait3A] : memref<79x128xi32, #tpu.memory_space<vmem>> -> memref<1x128xi32, #tpu.memory_space<vmem>>
      %dma_wait3A_16 = tpu.memref_squeeze %dma_wait3A_15 : memref<1x128xi32, #tpu.memory_space<vmem>> -> memref<128xi32, #tpu.memory_space<vmem>>
      %dma_wait3A_17 = arith.constant 0 : i32
      %dma_wait3A_18 = arith.constant 0 : i32
      %dma_wait3A_19 = tpu.memref_slice %arg2[%dma_wait3A_17, %dma_wait3A_18] : memref<10000x128xf32, #tpu.memory_space<hbm>> -> memref<10000x128xf32, #tpu.memory_space<hbm>>
      tpu.wait_indirect_dma semaphore(%arg11 : memref<!tpu.dma_semaphore, #tpu.memory_space<semaphore_mem>>) src(%dma_wait3A_19 : memref<10000x128xf32, #tpu.memory_space<hbm>>) dst(%arg9 : memref<128x128xf32, #tpu.memory_space<vmem>>)
      "tpu.region"() ({
        %run_scoped3A = tpu.sem_alloc : memref<!tpu.dma_semaphore, #tpu.memory_space<semaphore_mem>>
        %dma_start3A_20 = arith.constant 0 : i32
        %dma_start3A_21 = tpu.memref_slice %arg8[%scan3A_9, %dma_start3A_20] : memref<79x128xi32, #tpu.memory_space<vmem>> -> memref<1x128xi32, #tpu.memory_space<vmem>>
        %dma_start3A_22 = tpu.memref_squeeze %dma_start3A_21 : memref<1x128xi32, #tpu.memory_space<vmem>> -> memref<128xi32, #tpu.memory_space<vmem>>
        %dma_start3A_23 = arith.constant 0 : i32
        %dma_start3A_24 = arith.constant 0 : i32
        %dma_start3A_25 = tpu.memref_slice %arg10[%dma_start3A_23, %dma_start3A_24] : memref<10112x128xf32, #tpu.memory_space<vmem_shared>> -> memref<10112x128xf32, #tpu.memory_space<vmem_shared>>
        tpu.enqueue_indirect_dma source(%arg9 : memref<128x128xf32, #tpu.memory_space<vmem>>) target(%dma_start3A_25 : memref<10112x128xf32, #tpu.memory_space<vmem_shared>>) offsets(%dma_start3A_22 : memref<128xi32, #tpu.memory_space<vmem>>) semaphore(%run_scoped3A : memref<!tpu.dma_semaphore, #tpu.memory_space<semaphore_mem>>) {add = true}
        %dma_wait3A_26 = arith.constant 0 : i32
        %dma_wait3A_27 = tpu.memref_slice %arg8[%scan3A_9, %dma_wait3A_26] : memref<79x128xi32, #tpu.memory_space<vmem>> -> memref<1x128xi32, #tpu.memory_space<vmem>>
        %dma_wait3A_28 = tpu.memref_squeeze %dma_wait3A_27 : memref<1x128xi32, #tpu.memory_space<vmem>> -> memref<128xi32, #tpu.memory_space<vmem>>
        %dma_wait3A_29 = arith.constant 0 : i32
        %dma_wait3A_30 = arith.constant 0 : i32
        %dma_wait3A_31 = tpu.memref_slice %arg10[%dma_wait3A_29, %dma_wait3A_30] : memref<10112x128xf32, #tpu.memory_space<vmem_shared>> -> memref<10112x128xf32, #tpu.memory_space<vmem_shared>>
        tpu.wait_indirect_dma semaphore(%run_scoped3A : memref<!tpu.dma_semaphore, #tpu.memory_space<semaphore_mem>>) src(%arg9 : memref<128x128xf32, #tpu.memory_space<vmem>>) dst(%dma_wait3A_31 : memref<10112x128xf32, #tpu.memory_space<vmem_shared>>)
        tpu.yield
      }) : () -> ()
    }
    %scan3A_7 = arith.constant 79 : i32
    %barrier3A_8 = arith.constant 0 : index
    tpu.barrier barrier_id(%barrier3A_8)
    "tpu.region"() ({
      %run_scoped3A = tpu.sem_alloc : memref<!tpu.dma_semaphore, #tpu.memory_space<semaphore_mem>>
      %dma_start3A = arith.constant 0 : i32
      %dma_start3A_9 = tpu.memref_slice %arg6[%arg0, %mul3A_2, %dma_start3A] : memref<2x10112x128xf32, #tpu.memory_space<hbm>> -> memref<1x632x128xf32, #tpu.memory_space<hbm>>
      %dma_start3A_10 = tpu.memref_squeeze %dma_start3A_9 : memref<1x632x128xf32, #tpu.memory_space<hbm>> -> memref<632x128xf32, #tpu.memory_space<hbm>>
      %dma_start3A_11 = arith.constant 0 : i32
      %dma_start3A_12 = tpu.memref_slice %arg10[%mul3A_2, %dma_start3A_11] : memref<10112x128xf32, #tpu.memory_space<vmem_shared>> -> memref<632x128xf32, #tpu.memory_space<vmem_shared>>
      tpu.enqueue_dma source(%dma_start3A_12 : memref<632x128xf32, #tpu.memory_space<vmem_shared>>) target(%dma_start3A_10 : memref<632x128xf32, #tpu.memory_space<hbm>>) target_semaphore(%run_scoped3A : memref<!tpu.dma_semaphore, #tpu.memory_space<semaphore_mem>>)
      %dma_wait3A = arith.constant 0 : i32
      %dma_wait3A_13 = tpu.memref_slice %arg6[%arg0, %mul3A_2, %dma_wait3A] : memref<2x10112x128xf32, #tpu.memory_space<hbm>> -> memref<1x632x128xf32, #tpu.memory_space<hbm>>
      %dma_wait3A_14 = tpu.memref_squeeze %dma_wait3A_13 : memref<1x632x128xf32, #tpu.memory_space<hbm>> -> memref<632x128xf32, #tpu.memory_space<hbm>>
      %dma_wait3A_15 = arith.constant 0 : i32
      %dma_wait3A_16 = tpu.memref_slice %arg10[%mul3A_2, %dma_wait3A_15] : memref<10112x128xf32, #tpu.memory_space<vmem_shared>> -> memref<632x128xf32, #tpu.memory_space<vmem_shared>>
      tpu.wait_dma2 semaphore(%run_scoped3A : memref<!tpu.dma_semaphore, #tpu.memory_space<semaphore_mem>>) src(%dma_wait3A_16 : memref<632x128xf32, #tpu.memory_space<vmem_shared>>) dst(%dma_wait3A_14 : memref<632x128xf32, #tpu.memory_space<hbm>>)
      tpu.yield
    }) : () -> ()
    return
  }
}

#map = affine_map<(d0, d1) -> (0, 0)>
#map1 = affine_map<(d0, d1) -> (0, 0, 0)>
module attributes {stable_mosaic.version = 14 : i64} {
  func.func @_prop_body(%arg0: i32, %arg1: i32, %arg2: memref<10000x128xf32, #tpu.memory_space<hbm>>, %arg3: memref<32x79x128xi32, #tpu.memory_space<hbm>>, %arg4: memref<32x79x128xi32, #tpu.memory_space<hbm>>, %arg5: memref<10112x128xf32, #tpu.memory_space<hbm>>, %arg6: memref<2x10112x128xf32, #tpu.memory_space<hbm>>, %arg7: memref<79x128xi32, #tpu.memory_space<vmem>>, %arg8: memref<79x128xi32, #tpu.memory_space<vmem>>, %arg9: memref<128x128xf32, #tpu.memory_space<vmem>>, %arg10: memref<10112x128xf32, #tpu.memory_space<vmem_shared>>, %arg11: memref<!tpu.dma_semaphore, #tpu.memory_space<semaphore_mem>>) attributes {dimension_semantics = [#tpu.dimension_semantics<core_parallel>, #tpu.dimension_semantics<subcore_parallel>], iteration_bounds = array<i64: 2, 16>, scalar_prefetch = 0 : i64, scratch_operands = 5 : i64, tpu.core_type = #tpu.core_type<sc_vector_subcore>, window_params = [{transform_indices = #map}, {transform_indices = #map1}, {transform_indices = #map1}, {transform_indices = #map}, {transform_indices = #map1}]} {
    %mul3A = arith.constant 16 : i32
    %mul3A_0 = arith.muli %arg0, %mul3A : i32
    %add3A = arith.addi %mul3A_0, %arg1 : i32
    %mul3A_1 = arith.constant 632 : i32
    %mul3A_2 = arith.muli %arg1, %mul3A_1 : i32
    "tpu.region"() ({
      %run_scoped3A = tpu.sem_alloc : memref<!tpu.dma_semaphore, #tpu.memory_space<semaphore_mem>>
      %dma_start3A = arith.constant 0 : i32
      %dma_start3A_9 = tpu.memref_slice %arg10[%mul3A_2, %dma_start3A] : memref<10112x128xf32, #tpu.memory_space<vmem_shared>> -> memref<632x128xf32, #tpu.memory_space<vmem_shared>>
      %dma_start3A_10 = arith.constant 0 : i32
      %dma_start3A_11 = tpu.memref_slice %arg5[%mul3A_2, %dma_start3A_10] : memref<10112x128xf32, #tpu.memory_space<hbm>> -> memref<632x128xf32, #tpu.memory_space<hbm>>
      tpu.enqueue_dma source(%dma_start3A_11 : memref<632x128xf32, #tpu.memory_space<hbm>>) target(%dma_start3A_9 : memref<632x128xf32, #tpu.memory_space<vmem_shared>>) target_semaphore(%run_scoped3A : memref<!tpu.dma_semaphore, #tpu.memory_space<semaphore_mem>>)
      %dma_wait3A = arith.constant 0 : i32
      %dma_wait3A_12 = tpu.memref_slice %arg10[%mul3A_2, %dma_wait3A] : memref<10112x128xf32, #tpu.memory_space<vmem_shared>> -> memref<632x128xf32, #tpu.memory_space<vmem_shared>>
      %dma_wait3A_13 = arith.constant 0 : i32
      %dma_wait3A_14 = tpu.memref_slice %arg5[%mul3A_2, %dma_wait3A_13] : memref<10112x128xf32, #tpu.memory_space<hbm>> -> memref<632x128xf32, #tpu.memory_space<hbm>>
      tpu.wait_dma2 semaphore(%run_scoped3A : memref<!tpu.dma_semaphore, #tpu.memory_space<semaphore_mem>>) src(%dma_wait3A_14 : memref<632x128xf32, #tpu.memory_space<hbm>>) dst(%dma_wait3A_12 : memref<632x128xf32, #tpu.memory_space<vmem_shared>>)
      tpu.yield
    }) : () -> ()
    "tpu.region"() ({
      %run_scoped3A = tpu.sem_alloc : memref<!tpu.dma_semaphore, #tpu.memory_space<semaphore_mem>>
      %dma_start3A = arith.constant 0 : i32
      %dma_start3A_9 = arith.constant 0 : i32
      %dma_start3A_10 = tpu.memref_slice %arg3[%add3A, %dma_start3A, %dma_start3A_9] : memref<32x79x128xi32, #tpu.memory_space<hbm>> -> memref<1x79x128xi32, #tpu.memory_space<hbm>>
      %dma_start3A_11 = tpu.memref_squeeze %dma_start3A_10 : memref<1x79x128xi32, #tpu.memory_space<hbm>> -> memref<79x128xi32, #tpu.memory_space<hbm>>
      %dma_start3A_12 = arith.constant 0 : i32
      %dma_start3A_13 = arith.constant 0 : i32
      %dma_start3A_14 = tpu.memref_slice %arg3[%add3A, %dma_start3A_12, %dma_start3A_13] : memref<32x79x128xi32, #tpu.memory_space<hbm>> -> memref<1x79x128xi32, #tpu.memory_space<hbm>>
      %dma_start3A_15 = tpu.memref_squeeze %dma_start3A_14 : memref<1x79x128xi32, #tpu.memory_space<hbm>> -> memref<79x128xi32, #tpu.memory_space<hbm>>
      tpu.enqueue_dma source(%dma_start3A_15 : memref<79x128xi32, #tpu.memory_space<hbm>>) target(%arg7 : memref<79x128xi32, #tpu.memory_space<vmem>>) target_semaphore(%run_scoped3A : memref<!tpu.dma_semaphore, #tpu.memory_space<semaphore_mem>>)
      %dma_wait3A = arith.constant 0 : i32
      %dma_wait3A_16 = arith.constant 0 : i32
      %dma_wait3A_17 = tpu.memref_slice %arg3[%add3A, %dma_wait3A, %dma_wait3A_16] : memref<32x79x128xi32, #tpu.memory_space<hbm>> -> memref<1x79x128xi32, #tpu.memory_space<hbm>>
      %dma_wait3A_18 = tpu.memref_squeeze %dma_wait3A_17 : memref<1x79x128xi32, #tpu.memory_space<hbm>> -> memref<79x128xi32, #tpu.memory_space<hbm>>
      %dma_wait3A_19 = arith.constant 0 : i32
      %dma_wait3A_20 = arith.constant 0 : i32
      %dma_wait3A_21 = tpu.memref_slice %arg3[%add3A, %dma_wait3A_19, %dma_wait3A_20] : memref<32x79x128xi32, #tpu.memory_space<hbm>> -> memref<1x79x128xi32, #tpu.memory_space<hbm>>
      %dma_wait3A_22 = tpu.memref_squeeze %dma_wait3A_21 : memref<1x79x128xi32, #tpu.memory_space<hbm>> -> memref<79x128xi32, #tpu.memory_space<hbm>>
      tpu.wait_dma2 semaphore(%run_scoped3A : memref<!tpu.dma_semaphore, #tpu.memory_space<semaphore_mem>>) src(%dma_wait3A_22 : memref<79x128xi32, #tpu.memory_space<hbm>>) dst(%arg7 : memref<79x128xi32, #tpu.memory_space<vmem>>)
      tpu.yield
    }) : () -> ()
    "tpu.region"() ({
      %run_scoped3A = tpu.sem_alloc : memref<!tpu.dma_semaphore, #tpu.memory_space<semaphore_mem>>
      %dma_start3A = arith.constant 0 : i32
      %dma_start3A_9 = arith.constant 0 : i32
      %dma_start3A_10 = tpu.memref_slice %arg4[%add3A, %dma_start3A, %dma_start3A_9] : memref<32x79x128xi32, #tpu.memory_space<hbm>> -> memref<1x79x128xi32, #tpu.memory_space<hbm>>
      %dma_start3A_11 = tpu.memref_squeeze %dma_start3A_10 : memref<1x79x128xi32, #tpu.memory_space<hbm>> -> memref<79x128xi32, #tpu.memory_space<hbm>>
      %dma_start3A_12 = arith.constant 0 : i32
      %dma_start3A_13 = arith.constant 0 : i32
      %dma_start3A_14 = tpu.memref_slice %arg4[%add3A, %dma_start3A_12, %dma_start3A_13] : memref<32x79x128xi32, #tpu.memory_space<hbm>> -> memref<1x79x128xi32, #tpu.memory_space<hbm>>
      %dma_start3A_15 = tpu.memref_squeeze %dma_start3A_14 : memref<1x79x128xi32, #tpu.memory_space<hbm>> -> memref<79x128xi32, #tpu.memory_space<hbm>>
      tpu.enqueue_dma source(%dma_start3A_15 : memref<79x128xi32, #tpu.memory_space<hbm>>) target(%arg8 : memref<79x128xi32, #tpu.memory_space<vmem>>) target_semaphore(%run_scoped3A : memref<!tpu.dma_semaphore, #tpu.memory_space<semaphore_mem>>)
      %dma_wait3A = arith.constant 0 : i32
      %dma_wait3A_16 = arith.constant 0 : i32
      %dma_wait3A_17 = tpu.memref_slice %arg4[%add3A, %dma_wait3A, %dma_wait3A_16] : memref<32x79x128xi32, #tpu.memory_space<hbm>> -> memref<1x79x128xi32, #tpu.memory_space<hbm>>
      %dma_wait3A_18 = tpu.memref_squeeze %dma_wait3A_17 : memref<1x79x128xi32, #tpu.memory_space<hbm>> -> memref<79x128xi32, #tpu.memory_space<hbm>>
      %dma_wait3A_19 = arith.constant 0 : i32
      %dma_wait3A_20 = arith.constant 0 : i32
      %dma_wait3A_21 = tpu.memref_slice %arg4[%add3A, %dma_wait3A_19, %dma_wait3A_20] : memref<32x79x128xi32, #tpu.memory_space<hbm>> -> memref<1x79x128xi32, #tpu.memory_space<hbm>>
      %dma_wait3A_22 = tpu.memref_squeeze %dma_wait3A_21 : memref<1x79x128xi32, #tpu.memory_space<hbm>> -> memref<79x128xi32, #tpu.memory_space<hbm>>
      tpu.wait_dma2 semaphore(%run_scoped3A : memref<!tpu.dma_semaphore, #tpu.memory_space<semaphore_mem>>) src(%dma_wait3A_22 : memref<79x128xi32, #tpu.memory_space<hbm>>) dst(%arg8 : memref<79x128xi32, #tpu.memory_space<vmem>>)
      tpu.yield
    }) : () -> ()
    %barrier3A = arith.constant 0 : index
    tpu.barrier barrier_id(%barrier3A)
    %scan3A = arith.constant 0 : i32
    %scan3A_3 = arith.constant 0 : i32
    %scan3A_4 = arith.constant 79 : i32
    %scan3A_5 = arith.addi %scan3A_3, %scan3A_4 : i32
    %scan3A_6 = arith.constant 1 : i32
    scf.for %scan3A_9 = %scan3A_3 to %scan3A_5 step %scan3A_6  : i32 {
      %dma_start3A = arith.constant 0 : i32
      %dma_start3A_10 = tpu.memref_slice %arg7[%scan3A_9, %dma_start3A] : memref<79x128xi32, #tpu.memory_space<vmem>> -> memref<1x128xi32, #tpu.memory_space<vmem>>
      %dma_start3A_11 = tpu.memref_squeeze %dma_start3A_10 : memref<1x128xi32, #tpu.memory_space<vmem>> -> memref<128xi32, #tpu.memory_space<vmem>>
      %dma_start3A_12 = arith.constant 0 : i32
      %dma_start3A_13 = arith.constant 0 : i32
      %dma_start3A_14 = tpu.memref_slice %arg2[%dma_start3A_12, %dma_start3A_13] : memref<10000x128xf32, #tpu.memory_space<hbm>> -> memref<10000x128xf32, #tpu.memory_space<hbm>>
      tpu.enqueue_indirect_dma source(%dma_start3A_14 : memref<10000x128xf32, #tpu.memory_space<hbm>>) target(%arg9 : memref<128x128xf32, #tpu.memory_space<vmem>>) offsets(%dma_start3A_11 : memref<128xi32, #tpu.memory_space<vmem>>) semaphore(%arg11 : memref<!tpu.dma_semaphore, #tpu.memory_space<semaphore_mem>>)
      %dma_wait3A = arith.constant 0 : i32
      %dma_wait3A_15 = tpu.memref_slice %arg7[%scan3A_9, %dma_wait3A] : memref<79x128xi32, #tpu.memory_space<vmem>> -> memref<1x128xi32, #tpu.memory_space<vmem>>
      %dma_wait3A_16 = tpu.memref_squeeze %dma_wait3A_15 : memref<1x128xi32, #tpu.memory_space<vmem>> -> memref<128xi32, #tpu.memory_space<vmem>>
      %dma_wait3A_17 = arith.constant 0 : i32
      %dma_wait3A_18 = arith.constant 0 : i32
      %dma_wait3A_19 = tpu.memref_slice %arg2[%dma_wait3A_17, %dma_wait3A_18] : memref<10000x128xf32, #tpu.memory_space<hbm>> -> memref<10000x128xf32, #tpu.memory_space<hbm>>
      tpu.wait_indirect_dma semaphore(%arg11 : memref<!tpu.dma_semaphore, #tpu.memory_space<semaphore_mem>>) src(%dma_wait3A_19 : memref<10000x128xf32, #tpu.memory_space<hbm>>) dst(%arg9 : memref<128x128xf32, #tpu.memory_space<vmem>>)
      "tpu.region"() ({
        %run_scoped3A = tpu.sem_alloc : memref<!tpu.dma_semaphore, #tpu.memory_space<semaphore_mem>>
        %dma_start3A_20 = arith.constant 0 : i32
        %dma_start3A_21 = tpu.memref_slice %arg8[%scan3A_9, %dma_start3A_20] : memref<79x128xi32, #tpu.memory_space<vmem>> -> memref<1x128xi32, #tpu.memory_space<vmem>>
        %dma_start3A_22 = tpu.memref_squeeze %dma_start3A_21 : memref<1x128xi32, #tpu.memory_space<vmem>> -> memref<128xi32, #tpu.memory_space<vmem>>
        %dma_start3A_23 = arith.constant 0 : i32
        %dma_start3A_24 = arith.constant 0 : i32
        %dma_start3A_25 = tpu.memref_slice %arg10[%dma_start3A_23, %dma_start3A_24] : memref<10112x128xf32, #tpu.memory_space<vmem_shared>> -> memref<10112x128xf32, #tpu.memory_space<vmem_shared>>
        tpu.enqueue_indirect_dma source(%arg9 : memref<128x128xf32, #tpu.memory_space<vmem>>) target(%dma_start3A_25 : memref<10112x128xf32, #tpu.memory_space<vmem_shared>>) offsets(%dma_start3A_22 : memref<128xi32, #tpu.memory_space<vmem>>) semaphore(%run_scoped3A : memref<!tpu.dma_semaphore, #tpu.memory_space<semaphore_mem>>) {add = true}
        %dma_wait3A_26 = arith.constant 0 : i32
        %dma_wait3A_27 = tpu.memref_slice %arg8[%scan3A_9, %dma_wait3A_26] : memref<79x128xi32, #tpu.memory_space<vmem>> -> memref<1x128xi32, #tpu.memory_space<vmem>>
        %dma_wait3A_28 = tpu.memref_squeeze %dma_wait3A_27 : memref<1x128xi32, #tpu.memory_space<vmem>> -> memref<128xi32, #tpu.memory_space<vmem>>
        %dma_wait3A_29 = arith.constant 0 : i32
        %dma_wait3A_30 = arith.constant 0 : i32
        %dma_wait3A_31 = tpu.memref_slice %arg10[%dma_wait3A_29, %dma_wait3A_30] : memref<10112x128xf32, #tpu.memory_space<vmem_shared>> -> memref<10112x128xf32, #tpu.memory_space<vmem_shared>>
        tpu.wait_indirect_dma semaphore(%run_scoped3A : memref<!tpu.dma_semaphore, #tpu.memory_space<semaphore_mem>>) src(%arg9 : memref<128x128xf32, #tpu.memory_space<vmem>>) dst(%dma_wait3A_31 : memref<10112x128xf32, #tpu.memory_space<vmem_shared>>)
        tpu.yield
      }) : () -> ()
    }
    %scan3A_7 = arith.constant 79 : i32
    %barrier3A_8 = arith.constant 0 : index
    tpu.barrier barrier_id(%barrier3A_8)
    "tpu.region"() ({
      %run_scoped3A = tpu.sem_alloc : memref<!tpu.dma_semaphore, #tpu.memory_space<semaphore_mem>>
      %dma_start3A = arith.constant 0 : i32
      %dma_start3A_9 = tpu.memref_slice %arg6[%arg0, %mul3A_2, %dma_start3A] : memref<2x10112x128xf32, #tpu.memory_space<hbm>> -> memref<1x632x128xf32, #tpu.memory_space<hbm>>
      %dma_start3A_10 = tpu.memref_squeeze %dma_start3A_9 : memref<1x632x128xf32, #tpu.memory_space<hbm>> -> memref<632x128xf32, #tpu.memory_space<hbm>>
      %dma_start3A_11 = arith.constant 0 : i32
      %dma_start3A_12 = tpu.memref_slice %arg10[%mul3A_2, %dma_start3A_11] : memref<10112x128xf32, #tpu.memory_space<vmem_shared>> -> memref<632x128xf32, #tpu.memory_space<vmem_shared>>
      tpu.enqueue_dma source(%dma_start3A_12 : memref<632x128xf32, #tpu.memory_space<vmem_shared>>) target(%dma_start3A_10 : memref<632x128xf32, #tpu.memory_space<hbm>>) target_semaphore(%run_scoped3A : memref<!tpu.dma_semaphore, #tpu.memory_space<semaphore_mem>>)
      %dma_wait3A = arith.constant 0 : i32
      %dma_wait3A_13 = tpu.memref_slice %arg6[%arg0, %mul3A_2, %dma_wait3A] : memref<2x10112x128xf32, #tpu.memory_space<hbm>> -> memref<1x632x128xf32, #tpu.memory_space<hbm>>
      %dma_wait3A_14 = tpu.memref_squeeze %dma_wait3A_13 : memref<1x632x128xf32, #tpu.memory_space<hbm>> -> memref<632x128xf32, #tpu.memory_space<hbm>>
      %dma_wait3A_15 = arith.constant 0 : i32
      %dma_wait3A_16 = tpu.memref_slice %arg10[%mul3A_2, %dma_wait3A_15] : memref<10112x128xf32, #tpu.memory_space<vmem_shared>> -> memref<632x128xf32, #tpu.memory_space<vmem_shared>>
      tpu.wait_dma2 semaphore(%run_scoped3A : memref<!tpu.dma_semaphore, #tpu.memory_space<semaphore_mem>>) src(%dma_wait3A_16 : memref<632x128xf32, #tpu.memory_space<vmem_shared>>) dst(%dma_wait3A_14 : memref<632x128xf32, #tpu.memory_space<hbm>>)
      tpu.yield
    }) : () -> ()
    return
  }
}

module attributes {stable_mosaic.version = 14 : i64} {
  func.func @_b1_body(%arg0: i32, %arg1: memref<1000x128xf32, #tpu.memory_space<vmem>>, %arg2: memref<128x128xf32, #tpu.memory_space<vmem>>, %arg3: memref<2x1000x128xf32, #tpu.memory_space<vmem>>, %arg4: memref<1000x128xf32, #tpu.memory_space<vmem>>) attributes {dimension_semantics = [#tpu.dimension_semantics<arbitrary>], iteration_bounds = array<i64: 10>, scalar_prefetch = 0 : i64, scratch_operands = 0 : i64, tpu.core_type = #tpu.core_type<tc>, window_params = [{transform_indices = @transform_0, window_bounds = array<i64: 1000, 128>}, {pipeline_mode = #tpu.pipeline_mode<synchronous>, transform_indices = @transform_1, window_bounds = array<i64: 128, 128>}, {transform_indices = @transform_2, window_bounds = array<i64: 2, 1000, 128>}, {transform_indices = @transform_3, window_bounds = array<i64: 1000, 128>}]} {
    %get3A = arith.constant 0 : index
    %get3A_0 = arith.constant 0 : index
    %get3A_1 = arith.constant 0 : index
    %get3A_2 = vector.load %arg3[%get3A, %get3A_0, %get3A_1] : memref<2x1000x128xf32, #tpu.memory_space<vmem>>, vector<2x1000x128xf32>
    %slice3A = vector.extract_strided_slice %get3A_2 {offsets = [0, 0, 0], sizes = [1, 1000, 128], strides = [1, 1, 1]} : vector<2x1000x128xf32> to vector<1x1000x128xf32>
    %squeeze3A = vector.shape_cast %slice3A : vector<1x1000x128xf32> to vector<1000x128xf32>
    %add3A = arith.constant 0.000000e+00 : f32
    %add3A_3 = vector.broadcast %add3A : f32 to vector<1000x128xf32>
    %add3A_4 = arith.addf %add3A_3, %squeeze3A : vector<1000x128xf32>
    %slice3A_5 = vector.extract_strided_slice %get3A_2 {offsets = [1, 0, 0], sizes = [1, 1000, 128], strides = [1, 1, 1]} : vector<2x1000x128xf32> to vector<1x1000x128xf32>
    %squeeze3A_6 = vector.shape_cast %slice3A_5 : vector<1x1000x128xf32> to vector<1000x128xf32>
    %add3A_7 = arith.addf %add3A_4, %squeeze3A_6 : vector<1000x128xf32>
    %slice3A_8 = vector.extract_strided_slice %add3A_7 {offsets = [0, 0], sizes = [1000, 1], strides = [1, 1]} : vector<1000x128xf32> to vector<1000x1xf32>
    %max3A = arith.constant 1.000000e+00 : f32
    %max3A_9 = vector.broadcast %max3A : f32 to vector<1000x1xf32>
    %max3A_10 = arith.maximumf %slice3A_8, %max3A_9 : vector<1000x1xf32>
    %rsqrt3A = math.rsqrt %max3A_10 : vector<1000x1xf32>
    %get3A_11 = arith.constant 0 : index
    %get3A_12 = arith.constant 0 : index
    %get3A_13 = vector.load %arg1[%get3A_11, %get3A_12] : memref<1000x128xf32, #tpu.memory_space<vmem>>, vector<1000x128xf32>
    %mul3A = vector.broadcast %rsqrt3A : vector<1000x1xf32> to vector<1000x128xf32>
    %mul3A_14 = arith.mulf %get3A_13, %mul3A : vector<1000x128xf32>
    %get3A_15 = arith.constant 0 : index
    %get3A_16 = arith.constant 0 : index
    %get3A_17 = vector.load %arg2[%get3A_15, %get3A_16] : memref<128x128xf32, #tpu.memory_space<vmem>>, vector<128x128xf32>
    %dot_general3A = arith.constant dense<0.000000e+00> : vector<1000x128xf32>
    %dot_general3A_18 = tpu.matmul %mul3A_14, %get3A_17, %dot_general3A {dimension_numbers = #tpu.dot_dimension_numbers<[1], [0], [0], [1], [0, 0, 1, 1], [], []>, transpose_lhs_hint = false} : vector<1000x128xf32>, vector<128x128xf32>, vector<1000x128xf32> -> vector<1000x128xf32>
    %swap3A = arith.constant 0 : index
    %swap3A_19 = arith.constant 0 : index
    %swap3A_20 = vector.load %arg4[%swap3A, %swap3A_19] : memref<1000x128xf32, #tpu.memory_space<vmem>>, vector<1000x128xf32>
    tpu.vector_store %arg4[%swap3A, %swap3A_19], %dot_general3A_18 {strides = array<i32>} : memref<1000x128xf32, #tpu.memory_space<vmem>>, vector<1000x128xf32>,
    return
  }
  func.func @transform_0(%arg0: i32) -> (i32, i32) {
    %c0_i32 = arith.constant 0 : i32
    %c0_i32_0 = arith.constant 0 : i32
    return %arg0, %c0_i32 : i32, i32
  }
  func.func @transform_1(%arg0: i32) -> (i32, i32) {
    %c0_i32 = arith.constant 0 : i32
    %c0_i32_0 = arith.constant 0 : i32
    %c0_i32_1 = arith.constant 0 : i32
    return %c0_i32, %c0_i32_0 : i32, i32
  }
  func.func @transform_2(%arg0: i32) -> (i32, i32, i32) {
    %c0_i32 = arith.constant 0 : i32
    %c0_i32_0 = arith.constant 0 : i32
    %c0_i32_1 = arith.constant 0 : i32
    return %c0_i32, %arg0, %c0_i32_0 : i32, i32, i32
  }
  func.func @transform_3(%arg0: i32) -> (i32, i32) {
    %c0_i32 = arith.constant 0 : i32
    %c0_i32_0 = arith.constant 0 : i32
    return %arg0, %c0_i32 : i32, i32
  }
}

module attributes {stable_mosaic.version = 14 : i64} {
  func.func @_mid_body(%arg0: i32, %arg1: memref<2x1000x128xf32, #tpu.memory_space<vmem>>, %arg2: memref<2x1000x128xf32, #tpu.memory_space<vmem>>, %arg3: memref<1x128xf32, #tpu.memory_space<vmem>>, %arg4: memref<128x128xf32, #tpu.memory_space<vmem>>, %arg5: memref<1000x128xf32, #tpu.memory_space<vmem>>) attributes {dimension_semantics = [#tpu.dimension_semantics<arbitrary>], iteration_bounds = array<i64: 10>, scalar_prefetch = 0 : i64, scratch_operands = 0 : i64, tpu.core_type = #tpu.core_type<tc>, window_params = [{transform_indices = @transform_0, window_bounds = array<i64: 2, 1000, 128>}, {transform_indices = @transform_1, window_bounds = array<i64: 2, 1000, 128>}, {pipeline_mode = #tpu.pipeline_mode<synchronous>, transform_indices = @transform_2, window_bounds = array<i64: 1, 128>}, {pipeline_mode = #tpu.pipeline_mode<synchronous>, transform_indices = @transform_3, window_bounds = array<i64: 128, 128>}, {transform_indices = @transform_4, window_bounds = array<i64: 1000, 128>}]} {
    %get3A = arith.constant 0 : index
    %get3A_0 = arith.constant 0 : index
    %get3A_1 = arith.constant 0 : index
    %get3A_2 = vector.load %arg2[%get3A, %get3A_0, %get3A_1] : memref<2x1000x128xf32, #tpu.memory_space<vmem>>, vector<2x1000x128xf32>
    %slice3A = vector.extract_strided_slice %get3A_2 {offsets = [0, 0, 0], sizes = [1, 1000, 128], strides = [1, 1, 1]} : vector<2x1000x128xf32> to vector<1x1000x128xf32>
    %squeeze3A = vector.shape_cast %slice3A : vector<1x1000x128xf32> to vector<1000x128xf32>
    %add3A = arith.constant 0.000000e+00 : f32
    %add3A_3 = vector.broadcast %add3A : f32 to vector<1000x128xf32>
    %add3A_4 = arith.addf %add3A_3, %squeeze3A : vector<1000x128xf32>
    %slice3A_5 = vector.extract_strided_slice %get3A_2 {offsets = [1, 0, 0], sizes = [1, 1000, 128], strides = [1, 1, 1]} : vector<2x1000x128xf32> to vector<1x1000x128xf32>
    %squeeze3A_6 = vector.shape_cast %slice3A_5 : vector<1x1000x128xf32> to vector<1000x128xf32>
    %add3A_7 = arith.addf %add3A_4, %squeeze3A_6 : vector<1000x128xf32>
    %slice3A_8 = vector.extract_strided_slice %add3A_7 {offsets = [0, 0], sizes = [1000, 1], strides = [1, 1]} : vector<1000x128xf32> to vector<1000x1xf32>
    %max3A = arith.constant 1.000000e+00 : f32
    %max3A_9 = vector.broadcast %max3A : f32 to vector<1000x1xf32>
    %max3A_10 = arith.maximumf %slice3A_8, %max3A_9 : vector<1000x1xf32>
    %slice3A_11 = vector.extract_strided_slice %add3A_7 {offsets = [0, 1], sizes = [1000, 1], strides = [1, 1]} : vector<1000x128xf32> to vector<1000x1xf32>
    %max3A_12 = arith.constant 1.000000e+00 : f32
    %max3A_13 = vector.broadcast %max3A_12 : f32 to vector<1000x1xf32>
    %max3A_14 = arith.maximumf %slice3A_11, %max3A_13 : vector<1000x1xf32>
    %rsqrt3A = math.rsqrt %max3A_14 : vector<1000x1xf32>
    %rsqrt3A_15 = math.rsqrt %max3A_10 : vector<1000x1xf32>
    %get3A_16 = arith.constant 0 : index
    %get3A_17 = arith.constant 0 : index
    %get3A_18 = arith.constant 0 : index
    %get3A_19 = vector.load %arg1[%get3A_16, %get3A_17, %get3A_18] : memref<2x1000x128xf32, #tpu.memory_space<vmem>>, vector<1x1000x128xf32>
    %get3A_20 = vector.shape_cast %get3A_19 : vector<1x1000x128xf32> to vector<1000x128xf32>
    %add3A_21 = arith.constant 0.000000e+00 : f32
    %add3A_22 = vector.broadcast %add3A_21 : f32 to vector<1000x128xf32>
    %add3A_23 = arith.addf %add3A_22, %get3A_20 : vector<1000x128xf32>
    %get3A_24 = arith.constant 1 : index
    %get3A_25 = arith.constant 0 : index
    %get3A_26 = arith.constant 0 : index
    %get3A_27 = vector.load %arg1[%get3A_24, %get3A_25, %get3A_26] : memref<2x1000x128xf32, #tpu.memory_space<vmem>>, vector<1x1000x128xf32>
    %get3A_28 = vector.shape_cast %get3A_27 : vector<1x1000x128xf32> to vector<1000x128xf32>
    %add3A_29 = arith.addf %add3A_23, %get3A_28 : vector<1000x128xf32>
    %mul3A = vector.broadcast %rsqrt3A : vector<1000x1xf32> to vector<1000x128xf32>
    %mul3A_30 = arith.mulf %add3A_29, %mul3A : vector<1000x128xf32>
    %get3A_31 = arith.constant 0 : index
    %get3A_32 = arith.constant 0 : index
    %get3A_33 = vector.load %arg3[%get3A_31, %get3A_32] : memref<1x128xf32, #tpu.memory_space<vmem>>, vector<1x128xf32>
    %add3A_34 = vector.broadcast %get3A_33 : vector<1x128xf32> to vector<1000x128xf32>
    %add3A_35 = arith.addf %mul3A_30, %add3A_34 : vector<1000x128xf32>
    %mul3A_36 = vector.broadcast %rsqrt3A_15 : vector<1000x1xf32> to vector<1000x128xf32>
    %mul3A_37 = arith.mulf %add3A_35, %mul3A_36 : vector<1000x128xf32>
    %get3A_38 = arith.constant 0 : index
    %get3A_39 = arith.constant 0 : index
    %get3A_40 = vector.load %arg4[%get3A_38, %get3A_39] : memref<128x128xf32, #tpu.memory_space<vmem>>, vector<128x128xf32>
    %dot_general3A = arith.constant dense<0.000000e+00> : vector<1000x128xf32>
    %dot_general3A_41 = tpu.matmul %mul3A_37, %get3A_40, %dot_general3A {dimension_numbers = #tpu.dot_dimension_numbers<[1], [0], [0], [1], [0, 0, 1, 1], [], []>, transpose_lhs_hint = false} : vector<1000x128xf32>, vector<128x128xf32>, vector<1000x128xf32> -> vector<1000x128xf32>
    %swap3A = arith.constant 0 : index
    %swap3A_42 = arith.constant 0 : index
    %swap3A_43 = vector.load %arg5[%swap3A, %swap3A_42] : memref<1000x128xf32, #tpu.memory_space<vmem>>, vector<1000x128xf32>
    tpu.vector_store %arg5[%swap3A, %swap3A_42], %dot_general3A_41 {strides = array<i32>} : memref<1000x128xf32, #tpu.memory_space<vmem>>, vector<1000x128xf32>,
    return
  }
  func.func @transform_0(%arg0: i32) -> (i32, i32, i32) {
    %c0_i32 = arith.constant 0 : i32
    %c0_i32_0 = arith.constant 0 : i32
    %c0_i32_1 = arith.constant 0 : i32
    return %c0_i32, %arg0, %c0_i32_0 : i32, i32, i32
  }
  func.func @transform_1(%arg0: i32) -> (i32, i32, i32) {
    %c0_i32 = arith.constant 0 : i32
    %c0_i32_0 = arith.constant 0 : i32
    %c0_i32_1 = arith.constant 0 : i32
    return %c0_i32, %arg0, %c0_i32_0 : i32, i32, i32
  }
  func.func @transform_2(%arg0: i32) -> (i32, i32) {
    %c0_i32 = arith.constant 0 : i32
    %c0_i32_0 = arith.constant 0 : i32
    %c0_i32_1 = arith.constant 0 : i32
    return %c0_i32, %c0_i32_0 : i32, i32
  }
  func.func @transform_3(%arg0: i32) -> (i32, i32) {
    %c0_i32 = arith.constant 0 : i32
    %c0_i32_0 = arith.constant 0 : i32
    %c0_i32_1 = arith.constant 0 : i32
    return %c0_i32, %c0_i32_0 : i32, i32
  }
  func.func @transform_4(%arg0: i32) -> (i32, i32) {
    %c0_i32 = arith.constant 0 : i32
    %c0_i32_0 = arith.constant 0 : i32
    return %arg0, %c0_i32 : i32, i32
  }
}

module attributes {stable_mosaic.version = 14 : i64} {
  func.func @_out_body(%arg0: i32, %arg1: memref<2x1000x128xf32, #tpu.memory_space<vmem>>, %arg2: memref<2x1000x128xf32, #tpu.memory_space<vmem>>, %arg3: memref<1x128xf32, #tpu.memory_space<vmem>>, %arg4: memref<1x128xf32, #tpu.memory_space<vmem>>, %arg5: memref<1x128xf32, #tpu.memory_space<vmem>>, %arg6: memref<1000x128xf32, #tpu.memory_space<vmem>>) attributes {dimension_semantics = [#tpu.dimension_semantics<arbitrary>], iteration_bounds = array<i64: 10>, scalar_prefetch = 0 : i64, scratch_operands = 0 : i64, tpu.core_type = #tpu.core_type<tc>, window_params = [{transform_indices = @transform_0, window_bounds = array<i64: 2, 1000, 128>}, {transform_indices = @transform_1, window_bounds = array<i64: 2, 1000, 128>}, {pipeline_mode = #tpu.pipeline_mode<synchronous>, transform_indices = @transform_2, window_bounds = array<i64: 1, 128>}, {pipeline_mode = #tpu.pipeline_mode<synchronous>, transform_indices = @transform_3, window_bounds = array<i64: 1, 128>}, {pipeline_mode = #tpu.pipeline_mode<synchronous>, transform_indices = @transform_4, window_bounds = array<i64: 1, 128>}, {transform_indices = @transform_5, window_bounds = array<i64: 1000, 128>}]} {
    %get3A = arith.constant 0 : index
    %get3A_0 = arith.constant 0 : index
    %get3A_1 = arith.constant 0 : index
    %get3A_2 = vector.load %arg2[%get3A, %get3A_0, %get3A_1] : memref<2x1000x128xf32, #tpu.memory_space<vmem>>, vector<2x1000x128xf32>
    %slice3A = vector.extract_strided_slice %get3A_2 {offsets = [0, 0, 0], sizes = [1, 1000, 128], strides = [1, 1, 1]} : vector<2x1000x128xf32> to vector<1x1000x128xf32>
    %squeeze3A = vector.shape_cast %slice3A : vector<1x1000x128xf32> to vector<1000x128xf32>
    %add3A = arith.constant 0.000000e+00 : f32
    %add3A_3 = vector.broadcast %add3A : f32 to vector<1000x128xf32>
    %add3A_4 = arith.addf %add3A_3, %squeeze3A : vector<1000x128xf32>
    %slice3A_5 = vector.extract_strided_slice %get3A_2 {offsets = [1, 0, 0], sizes = [1, 1000, 128], strides = [1, 1, 1]} : vector<2x1000x128xf32> to vector<1x1000x128xf32>
    %squeeze3A_6 = vector.shape_cast %slice3A_5 : vector<1x1000x128xf32> to vector<1000x128xf32>
    %add3A_7 = arith.addf %add3A_4, %squeeze3A_6 : vector<1000x128xf32>
    %slice3A_8 = vector.extract_strided_slice %add3A_7 {offsets = [0, 1], sizes = [1000, 1], strides = [1, 1]} : vector<1000x128xf32> to vector<1000x1xf32>
    %max3A = arith.constant 1.000000e+00 : f32
    %max3A_9 = vector.broadcast %max3A : f32 to vector<1000x1xf32>
    %max3A_10 = arith.maximumf %slice3A_8, %max3A_9 : vector<1000x1xf32>
    %rsqrt3A = math.rsqrt %max3A_10 : vector<1000x1xf32>
    %get3A_11 = arith.constant 0 : index
    %get3A_12 = arith.constant 0 : index
    %get3A_13 = arith.constant 0 : index
    %get3A_14 = vector.load %arg1[%get3A_11, %get3A_12, %get3A_13] : memref<2x1000x128xf32, #tpu.memory_space<vmem>>, vector<1x1000x128xf32>
    %get3A_15 = vector.shape_cast %get3A_14 : vector<1x1000x128xf32> to vector<1000x128xf32>
    %add3A_16 = arith.constant 0.000000e+00 : f32
    %add3A_17 = vector.broadcast %add3A_16 : f32 to vector<1000x128xf32>
    %add3A_18 = arith.addf %add3A_17, %get3A_15 : vector<1000x128xf32>
    %get3A_19 = arith.constant 1 : index
    %get3A_20 = arith.constant 0 : index
    %get3A_21 = arith.constant 0 : index
    %get3A_22 = vector.load %arg1[%get3A_19, %get3A_20, %get3A_21] : memref<2x1000x128xf32, #tpu.memory_space<vmem>>, vector<1x1000x128xf32>
    %get3A_23 = vector.shape_cast %get3A_22 : vector<1x1000x128xf32> to vector<1000x128xf32>
    %add3A_24 = arith.addf %add3A_18, %get3A_23 : vector<1000x128xf32>
    %mul3A = vector.broadcast %rsqrt3A : vector<1000x1xf32> to vector<1000x128xf32>
    %mul3A_25 = arith.mulf %add3A_24, %mul3A : vector<1000x128xf32>
    %get3A_26 = arith.constant 0 : index
    %get3A_27 = arith.constant 0 : index
    %get3A_28 = vector.load %arg3[%get3A_26, %get3A_27] : memref<1x128xf32, #tpu.memory_space<vmem>>, vector<1x128xf32>
    %add3A_29 = vector.broadcast %get3A_28 : vector<1x128xf32> to vector<1000x128xf32>
    %add3A_30 = arith.addf %mul3A_25, %add3A_29 : vector<1000x128xf32>
    %reduce_sum3A = arith.constant dense<0.000000e+00> : vector<1000xf32>
    %reduce_sum3A_31 = vector.multi_reduction <add>, %add3A_30, %reduce_sum3A [1] : vector<1000x128xf32> to vector<1000xf32>
    %broadcast_in_dim3A = vector.shape_cast %reduce_sum3A_31 : vector<1000xf32> to vector<1000x1xf32>
    %div3A = arith.constant 1.280000e+02 : f32
    %div3A_32 = vector.broadcast %div3A : f32 to vector<1000x1xf32>
    %div3A_33 = arith.divf %broadcast_in_dim3A, %div3A_32 : vector<1000x1xf32>
    %sub3A = vector.broadcast %div3A_33 : vector<1000x1xf32> to vector<1000x128xf32>
    %sub3A_34 = arith.subf %add3A_30, %sub3A : vector<1000x128xf32>
    %sub3A_35 = vector.broadcast %div3A_33 : vector<1000x1xf32> to vector<1000x128xf32>
    %sub3A_36 = arith.subf %add3A_30, %sub3A_35 : vector<1000x128xf32>
    %mul3A_37 = arith.mulf %sub3A_34, %sub3A_36 : vector<1000x128xf32>
    %reduce_sum3A_38 = arith.constant dense<0.000000e+00> : vector<1000xf32>
    %reduce_sum3A_39 = vector.multi_reduction <add>, %mul3A_37, %reduce_sum3A_38 [1] : vector<1000x128xf32> to vector<1000xf32>
    %broadcast_in_dim3A_40 = vector.shape_cast %reduce_sum3A_39 : vector<1000xf32> to vector<1000x1xf32>
    %div3A_41 = arith.constant 1.280000e+02 : f32
    %div3A_42 = vector.broadcast %div3A_41 : f32 to vector<1000x1xf32>
    %div3A_43 = arith.divf %broadcast_in_dim3A_40, %div3A_42 : vector<1000x1xf32>
    %sub3A_44 = vector.broadcast %div3A_33 : vector<1000x1xf32> to vector<1000x128xf32>
    %sub3A_45 = arith.subf %add3A_30, %sub3A_44 : vector<1000x128xf32>
    %add3A_46 = arith.constant 9.99999974E-6 : f32
    %add3A_47 = vector.broadcast %add3A_46 : f32 to vector<1000x1xf32>
    %add3A_48 = arith.addf %div3A_43, %add3A_47 : vector<1000x1xf32>
    %rsqrt3A_49 = math.rsqrt %add3A_48 : vector<1000x1xf32>
    %mul3A_50 = vector.broadcast %rsqrt3A_49 : vector<1000x1xf32> to vector<1000x128xf32>
    %mul3A_51 = arith.mulf %sub3A_45, %mul3A_50 : vector<1000x128xf32>
    %get3A_52 = arith.constant 0 : index
    %get3A_53 = arith.constant 0 : index
    %get3A_54 = vector.load %arg4[%get3A_52, %get3A_53] : memref<1x128xf32, #tpu.memory_space<vmem>>, vector<1x128xf32>
    %mul3A_55 = vector.broadcast %get3A_54 : vector<1x128xf32> to vector<1000x128xf32>
    %mul3A_56 = arith.mulf %mul3A_51, %mul3A_55 : vector<1000x128xf32>
    %get3A_57 = arith.constant 0 : index
    %get3A_58 = arith.constant 0 : index
    %get3A_59 = vector.load %arg5[%get3A_57, %get3A_58] : memref<1x128xf32, #tpu.memory_space<vmem>>, vector<1x128xf32>
    %add3A_60 = vector.broadcast %get3A_59 : vector<1x128xf32> to vector<1000x128xf32>
    %add3A_61 = arith.addf %mul3A_56, %add3A_60 : vector<1000x128xf32>
    %swap3A = arith.constant 0 : index
    %swap3A_62 = arith.constant 0 : index
    %swap3A_63 = vector.load %arg6[%swap3A, %swap3A_62] : memref<1000x128xf32, #tpu.memory_space<vmem>>, vector<1000x128xf32>
    tpu.vector_store %arg6[%swap3A, %swap3A_62], %add3A_61 {strides = array<i32>} : memref<1000x128xf32, #tpu.memory_space<vmem>>, vector<1000x128xf32>,
    return
  }
  func.func @transform_0(%arg0: i32) -> (i32, i32, i32) {
    %c0_i32 = arith.constant 0 : i32
    %c0_i32_0 = arith.constant 0 : i32
    %c0_i32_1 = arith.constant 0 : i32
    return %c0_i32, %arg0, %c0_i32_0 : i32, i32, i32
  }
  func.func @transform_1(%arg0: i32) -> (i32, i32, i32) {
    %c0_i32 = arith.constant 0 : i32
    %c0_i32_0 = arith.constant 0 : i32
    %c0_i32_1 = arith.constant 0 : i32
    return %c0_i32, %arg0, %c0_i32_0 : i32, i32, i32
  }
  func.func @transform_2(%arg0: i32) -> (i32, i32) {
    %c0_i32 = arith.constant 0 : i32
    %c0_i32_0 = arith.constant 0 : i32
    %c0_i32_1 = arith.constant 0 : i32
    return %c0_i32, %c0_i32_0 : i32, i32
  }
  func.func @transform_3(%arg0: i32) -> (i32, i32) {
    %c0_i32 = arith.constant 0 : i32
    %c0_i32_0 = arith.constant 0 : i32
    %c0_i32_1 = arith.constant 0 : i32
    return %c0_i32, %c0_i32_0 : i32, i32
  }
  func.func @transform_4(%arg0: i32) -> (i32, i32) {
    %c0_i32 = arith.constant 0 : i32
    %c0_i32_0 = arith.constant 0 : i32
    %c0_i32_1 = arith.constant 0 : i32
    return %c0_i32, %c0_i32_0 : i32, i32
  }
  func.func @transform_5(%arg0: i32) -> (i32, i32) {
    %c0_i32 = arith.constant 0 : i32
    %c0_i32_0 = arith.constant 0 : i32
    return %arg0, %c0_i32 : i32, i32
  }
}

</mosaic_0001>

<sc_bundles>
// kernel: kernel.10.cloned.1.call-start
scs
__scs_entry_jumppad:
0x0: {  	(pc) =	sbr.rel $0x88, $3  }
0x1: {  	(tag) =	ssettag $0x0;
	lr =	simm.s32 $0x1  }
0x2: {  	[smem:$0x3F97] =	sst lr;
	_ =	strace $0xD0000000  }
0x3: {  	_ = 	snop  }
0x4: {  	_ = 	snop  }
0x5: {  	_ = 	snop  }
0x6: {  	_ = 	snop  }
0x7: {  	_ = 	snop  }
__scs_overlays_trampoline_lowered:
0x8: {  	[smem:$0x3FA6] =	sst s0  }
0x9: {  	[smem:$0x3FA7] =	sst s1  }
0xa: {  	[smem:$0x3FA8] =	sst s2  }
0xb: {  	[smem:$0x3FA9] =	sst s3  }
0xc: {  	[smem:$0x3FAA] =	sst s4  }
0xd: {  	[smem:$0x3FAB] =	sst s5  }
0xe: {  	[smem:$0x3FAC] =	sst s6  }
0xf: {  	[smem:$0x3FAD] =	sst s7  }
0x10: {  	[smem:$0x3FAE] =	sst s8  }
0x11: {  	[smem:$0x3FAF] =	sst s9;
	s0 =	simm.s32 @!p0 $0x0  }
0x12: {  	s1 =	sld [smem:$0x3F95];
	s0 =	simm.s32 @p0 $0x1  }
0x13: {  	[smem:$0x3FB0] =	sst s0;
	s0 =	simm.s32 @!p1 $0x0  }
0x14: {  	s2 =	sld [smem:$0x3F94];
	s0 =	simm.s32 @p1 $0x1  }
0x15: {  	[smem:$0x3FB1] =	sst s0;
	s0 =	simm.s32 @!p2 $0x0  }
0x16: {  	s3 =	sld [smem:$0x3FDB];
	s0 =	simm.s32 @p2 $0x1  }
0x17: {  	s4 =	simm.s32 $0x1BF5;
	[smem:$0x3FB3] =	sst s0  }
0x18: {  	s0 =	sld [smem:$0x3F96];
	_ =	swait.ge [sflag:s4], $0x0  }
0x19: {  	s7 =	sld [smem:$0x3F97]  }
0x1a: {  	s8 =	sadd.s32 $0xFFFFE003, lr  }
0x1b: {  	s9 =	sadd.s32 $0xFFFFFEF7, lr;
	s5 =	simm.s32 $0xFFFFFFFF;
	p2 =	slt.u32 s8, $0xFFFFF086  }
0x1c: {  	p1 =	slt.u32 s9, $0xF7A;
	s5 =	simm.s32 @!p2 $0x0  }
0x1d: {  	s5 =	simm.s32 @p1 $0x1;
	p0 =	seq.s32 s7, s2  }
0x1e: {  	s7 =	smul.u32 @!p0 $0xF7A, s2;
	p2 =	seq.s32 @!p0 s5, $0x0  }
0x1f: {  	s9 =	smul.u32 $0xF7A, s1;
	s8 =	simm.s32 @!p0 $0x1BF5;
	p2 =	por !p2, p0  }
0x20: {  	[sflag:s8] =	ssyncset.s32 @!p0 $0xFFFFF086;
	s6 =	sadd.s32 @!p0 s3, s7;
	s7 =	simm.s32 @!p0 $0x108  }
0x21: {  	s3 =	sadd.s32 s3, s9;
	s6 =	sadd.s32 @!p0 $0x88, s6;
	s7 =	simm.s32 @p2 $0x1082  }
0x22: {  	[simem:s7], [sflag:s8] =	dma.local @!p0 [hbm:s6], $0xF7A  }
0x23: {  	s9 =	sor.u32 $0xD0000000, s2;
	s6 =	simm.s32 $0x108;
	_ =	swait.ge @!p0 [sflag:s8], $0x0  }
0x24: {  	s3 =	sadd.s32 $0x88, s3;
	s6 =	simm.s32 @!p1 $0x1082;
	[sflag:s4] =	ssyncset.s32 $0xFFFFF086  }
0x25: {  	[simem:s6], [sflag:s4] =	dma.local [hbm:s3], $0xF7A  }
0x26: {  	[smem:$0x3F97] =	sst s1;
	(tag) =	ssettag s2;
	_ =	strace s9  }
0x27: {  	s1 =	sld [smem:$0x3FA7]  }
0x28: {  	s2 =	sld [smem:$0x3FA8]  }
0x29: {  	s4 =	sld [smem:$0x3FAA]  }
0x2a: {  	p0 =	seq.s32 s5, $0x0;
	s5 =	sld [smem:$0x3FAB]  }
0x2b: {  	s6 =	sld [smem:$0x3FAC]  }
0x2c: {  	s7 =	sld [smem:$0x3FAD]  }
0x2d: {  	s3 =	simm.s32 $0x108;
	s8 =	sld [smem:$0x3FAE]  }
0x2e: {  	s3 =	simm.s32 @!p0 $0x1082;
	s9 =	sld [smem:$0x3FAF]  }
0x2f: {  	lr =	sadd.s32 s0, s3;
	s0 =	sld [smem:$0x3FA6]  }
0x30: {  	s3 =	sld [smem:$0x3FA9]  }
0x31: {  	[smem:$0x3FB2] =	sst s10  }
0x32: {  	s10 =	sld [smem:$0x3FB0];
	_ =	sdelay $0x3  }
0x33: {  	p0 =	seq.s32 s10, $0x1;
	s10 =	sld [smem:$0x3FB2];
	_ =	sdelay $0x3  }
0x34: {  	[smem:$0x3FB2] =	sst s10  }
0x35: {  	s10 =	sld [smem:$0x3FB1];
	_ =	sdelay $0x3  }
0x36: {  	p1 =	seq.s32 s10, $0x1;
	s10 =	sld [smem:$0x3FB2];
	_ =	sdelay $0x3  }
0x37: {  	[smem:$0x3FB2] =	sst s10  }
0x38: {  	s10 =	sld [smem:$0x3FB3]  }
0x39: {  	_ = 	snop;
	(pc) =	sbr.ind lr, $3  }
0x3a: {  	_ = 	snop  }
0x3b: {  	_ = 	snop  }
0x3c: {  	p2 =	seq.s32 s10, $0x1;
	s10 =	sld [smem:$0x3FB2]  }
0x3d: {  	_ =	shalt  }
0x3e: {  	_ =	shalt  }
0x3f: {  	_ =	shalt  }
0x40: {  	_ =	shalt  }
0x41: {  	_ =	shalt  }
0x42: {  	_ =	shalt  }
0x43: {  	_ =	shalt  }
0x44: {  	_ =	shalt  }
0x45: {  	_ =	shalt  }
0x46: {  	_ =	shalt  }
0x47: {  	_ =	shalt  }
0x48: {  	_ =	shalt  }
0x49: {  	_ =	shalt  }
0x4a: {  	_ =	shalt  }
0x4b: {  	_ =	shalt  }
0x4c: {  	_ =	shalt  }
0x4d: {  	_ =	shalt  }
0x4e: {  	_ =	shalt  }
0x4f: {  	_ =	shalt  }
0x50: {  	_ =	shalt  }
0x51: {  	_ =	shalt  }
0x52: {  	_ =	shalt  }
0x53: {  	_ =	shalt  }
0x54: {  	_ =	shalt  }
0x55: {  	_ =	shalt  }
0x56: {  	_ =	shalt  }
0x57: {  	_ =	shalt  }
0x58: {  	_ =	shalt  }
0x59: {  	_ =	shalt  }
0x5a: {  	_ =	shalt  }
0x5b: {  	_ =	shalt  }
0x5c: {  	_ =	shalt  }
0x5d: {  	_ =	shalt  }
0x5e: {  	_ =	shalt  }
0x5f: {  	_ =	shalt  }
0x60: {  	_ =	shalt  }
0x61: {  	_ =	shalt  }
0x62: {  	_ =	shalt  }
0x63: {  	_ =	shalt  }
0x64: {  	_ =	shalt  }
0x65: {  	_ =	shalt  }
0x66: {  	_ =	shalt  }
0x67: {  	_ =	shalt  }
0x68: {  	_ =	shalt  }
0x69: {  	_ =	shalt  }
0x6a: {  	_ =	shalt  }
0x6b: {  	_ =	shalt  }
0x6c: {  	_ =	shalt  }
0x6d: {  	_ =	shalt  }
0x6e: {  	_ =	shalt  }
0x6f: {  	_ =	shalt  }
0x70: {  	_ =	shalt  }
0x71: {  	_ =	shalt  }
0x72: {  	_ =	shalt  }
0x73: {  	_ =	shalt  }
0x74: {  	_ =	shalt  }
0x75: {  	_ =	shalt  }
0x76: {  	_ =	shalt  }
0x77: {  	_ =	shalt  }
0x78: {  	_ =	shalt  }
0x79: {  	_ =	shalt  }
0x7a: {  	_ =	shalt  }
0x7b: {  	_ =	shalt  }
0x7c: {  	_ =	shalt  }
0x7d: {  	_ =	shalt  }
0x7e: {  	_ =	shalt  }
0x7f: {  	_ =	shalt  }
0x80: {  	_ =	shalt  }
0x81: {  	_ =	shalt  }
0x82: {  	_ =	shalt  }
0x83: {  	_ =	shalt  }
0x84: {  	_ =	shalt  }
0x85: {  	_ =	shalt  }
0x86: {  	_ =	shalt  }
0x87: {  	_ =	shalt  }
.Lfunc_end0:
.L_simem_size_0:
called_computation_lowered:
.L_overlay_start_0:
0x88: {  	s2 =	sld [smem:$0x3FD9]  }
0x89: {  	s3 =	sld [smem:$0x3FFE];
	_ =	sdelay $0x1  }
0x8a: {  	s1 =	srdreg.scid  }
0x8b: {  	s0 =	sand.u32 $0x1, s1  }
0x8c: {  	s17 =	sshll.u32 s0, $0xA;
	s2 =	sadd.s32 s3, s2  }
0x8d: {  	s2 =	sadd.s32 s2, s17  }
0x8e: {  	[smem:$0x3FBE] =	sst s2  }
0x8f: {  	_ = 	snop  }
0x90: {  	s2 =	sld [smem:$0x3FD0];
	(tm) =	ssettm $0x1  }
0x91: {  	s18 =	sld [smem:$0x3FFB];
	_ =	sdelay $0x3  }
0x92: {  	_ =	strace s18  }
0x93: {  	s3 =	sld [smem:$0x3FFC];
	_ =	sdelay $0x3  }
0x94: {  	_ =	strace s3  }
0x95: {  	s3 =	sld [smem:$0x3FFD];
	_ =	sdelay $0x3  }
0x96: {  	_ =	strace s3  }
0x97: {  	_ =	strace $0x8FFFFFFF  }
0x98: {  	s19 =	sld [smem:$0x3FDB];
	_ =	sdelay $0x1  }
0x99: {  	s4 =	simm.s32 $_scs_section_size  }
0x9a: {  	s5 =	simm.s32 $_size__tile_overlayer_lowered;
	s6 =	simm.s32 $_tile_overlayer_lowered  }
0x9b: {  	s22 =	simm.s32 $0x1BFF;
	s21 =	sshll.u32 s6, $0x1;
	s3 =	sadd.s32 s4, s19  }
0x9c: {  	s7 =	simm.s32 $0x0;
	s20 =	sshll.u32 s5, $0x1;
	s5 =	sadd.s32 s21, s3  }
0x9d: {  	[timem:s7], [sflag:s22] =	dma.local [hbm:s5], s20  }
0x9e: {  	_ =	swait.ge [sflag:s22], s20  }
0x9f: {  	s4 =	ssub.s32 $0x0, s20;
	[sflag:s22] =	ssyncset.done $0x0  }
0xa0: {  	[sflag:s22] =	ssyncadd.s32 s4;
	_ =	sdelay $0x1  }
0xa1: {  	s23 =	simm.s32 $0x1B8B  }
0xa2: {  	_ =	swait.ge [sflag:s23], $0x1  }
0xa3: {  	[sflag:s23] =	ssyncset.done $0x0  }
0xa4: {  	s25 =	simm.s32 $0x1B8E;
	s24 =	sld [smem:$0x3FFE];
	[sflag:s23] =	ssyncadd.s32 $0xFFFFFFFF  }
0xa5: {  	s26 =	simm.s32 $execute0_lowered;
	[smem:$0x3FD2] =	sst s25  }
0xa6: {  	s5 =	sshll.u32 s26, $0x1;
	_ =	strace $0x80000046;
	[dreg:$0x1] =	wrdreg $0xFFFFFFFF  }
0xa7: {  	s28 =	simm.s32 $_size_execute0_lowered;
	s3 =	sadd.s32 s3, s5;
	[dreg:$0x0] =	wrdreg $0x0  }
0xa8: {  	s5 =	sshll.u32 s28, $0x1;
	[dreg:$0x2] =	wrdreg s3  }
0xa9: {  	[dreg:$0x3] =	wrdreg s5  }
0xaa: {  	[dreg:$0x4] =	wrdreg $0xC0  }
0xab: {  	_ =	task [dreg:s7], $0x5FFFF  }
0xac: {  	[dreg:$0x1] =	wrdreg $0xFFFFFFFF  }
0xad: {  	[dreg:$0x0] =	wrdreg $0x60  }
0xae: {  	[dreg:$0x2] =	wrdreg s2  }
0xaf: {  	[dreg:$0x3] =	wrdreg s24  }
0xb0: {  	[dreg:$0x4] =	wrdreg $0x81000  }
0xb1: {  	[dreg:$0x5] =	wrdreg $0x9  }
0xb2: {  	_ =	task.clear_ibuf [dreg:s7], $0x6FFFF;
	_ =	strace $0x90000046  }
0xb3: {  	s29 =	simm.s32 $0x9;
	_ =	strace $0x80000048  }
0xb4: {  	_ =	swait.ge [sflag:s29], $0x1  }
0xb5: {  	[sflag:s29] =	ssyncadd.s32 $0xFFFFFFFF  }
0xb6: {  	_ =	strace $0x90000048  }
0xb7: {  	_ =	sfence  }
0xb8: {  	s30 =	sld [smem:$0x0];
	_ =	sdelay $0x2  }
0xb9: {  	s31 =	sshll.u32 s1, $0xD;
	s1 =	sshrl.u32 s1, $0x2  }
0xba: {  	s3 =	sand.u32 $0x4000, s31;
	s1 =	sadd.s32 s1, s30  }
0xbb: {  	s0 =	sor.u32 s3, s0;
	s1 =	sshll.u32 s1, $0x11  }
0xbc: {  	s0 =	sor.u32 s1, s0  }
0xbd: {  	s0 =	sadd.s32 $0x8F2B, s0  }
0xbe: {  	[sflag:s0] =	ssyncadd.remote.s32 $0x1  }
0xbf: {  	_ =	sfence.sel $0xFFFF  }
0xc0: {  	[dreg:$0x0] =	wrdreg $0xFFFFFFFF;
	(pc) =	sbr.abs _section_cstart, $3  }
0xc1: {  	[dreg:$0x1] =	wrdreg $0xFFFFFFFF  }
0xc2: {  	_ =	task.clear_ibuf [dreg:s7], $0x2FFFF;
	_ =	strace $0x9FFFFFFF  }
0xc3: {  	(tm) =	ssettm $0x7FFFFFFF  }
tec
execute0_lowered:
.L_overlay_start_1:
0x0: {  	(tag) =	ssettag $0x1  }
0x1: {  	s10 =	rddreg [dreg:$0x0]  }
0x2: {  	s7 =	rddreg [dreg:$0x1]  }
0x3: {  	s2 =	rddreg [dreg:$0x2]  }
0x4: {  	s0 =	rddreg [dreg:$0x3]  }
0x5: {  	s1 =	stileid.u32;
	s4 =	srdreg.scid  }
0x6: {  	s3 =	simm.s32 $0x0;
	s16 =	simm.s32 $0x80;
	s5 =	smul.u32 $0x13C00, s1  }
0x7: {  	s17 =	simm.s32 $0x0;
	s6 =	sand.u32 $0x1, s4;
	s25 =	smul.u32 $0x4F000, s1  }
0x8: {  	[smem:$0x7FF] =	sst s3;
	s4 =	sadd.s32 $0x3E00, s7;
	s13 =	smul.u32 $0x4F00, s1  }
0x9: {  	s29 =	sshll.u32 s1, $0x6;
	s8 =	smul.u32 $0x13C000, s6;
	_ =	strace $0x80000047  }
0xa: {  	s26 =	ssub.s32 $0x2, s6;
	s12 =	smul.u32 $0x4F000, s6;
	s6 =	sor.u32 $0x1C02, s29  }
0xb: {  	s9 =	sshrl.u32 s5, $0x3;
	s28 =	sshrl.u32 s26, $0x1;
	s5 =	sadd.s32 s5, s8  }
0xc: {  	s24 =	sadd.s32 s9, s7;
	s9 =	sshrl.u32 s25, $0x2;
	s14 =	ssub.s32 s26, s28  }
0xd: {  	s30 =	sadd.s32 s13, s12;
	s12 =	simm.s32 $0x2;
	s13 =	simm.s32 $0x100  }
0xe: {  	s5 =	sshrl.u32 s5, $0x3;
	s15 =	sadd.s32 s9, s2;
	s31 =	sshrl.u32 s30, $0x3  }
0xf: {  	s9 =	smax.u32 s14, $0x1;
	s14 =	simm.s32 $0x4100;
	s11 =	sadd.s32 s5, s7  }
0x10: {  	s5 =	sadd.s32 $0x4E00, s24;
	s7 =	sadd.s32 $0x4600, s7;
	s10 =	sadd.s32 s31, s10  }
0x11: {  	s8 =	sadd.s32 $0x2C600, s11;
	s11 =	sshrl.u32 s15, $0x3;
	s15 =	simm.s32 $0x1  }
.LBB2_1:
0x12: {  	[spmem:s11], [sflag:s6] =	dma.local [hbm:s5], $0x2780  }
0x13: {  	_ =	swait.ge [sflag:s12], $0x2780  }
0x14: {  	[sflag:s12] =	ssyncset.done $0x0  }
0x15: {  	[sflag:s12] =	ssyncadd.s32 $0xFFFFD880  }
0x16: {  	[tilespmem:s13], [sflag:$0x2] =	stream.linear.gather [hbm4b:s4+s3], $0x4000, $0x38;
	[tilespmem:$0x1BD00] =	vst v63  }
0x17: {  	_ =	swait.ge [sflag:s12], $0x4000  }
0x18: {  	[sflag:s12] =	ssyncset.done $0x0  }
0x19: {  	[sflag:s12] =	ssyncadd.s32 $0xFFFFC000  }
0x1a: {  	[tilespmem:s14], [sflag:$0x2] =	stream.linear.gather [hbm4b:s7+s3], $0x4000, $0x38;
	[tilespmem:$0x1BD00] =	vst v63  }
0x1b: {  	_ =	swait.ge [sflag:s12], $0x4000  }
0x1c: {  	[sflag:s12] =	ssyncset.done $0x0  }
0x1d: {  	[sflag:s12] =	ssyncadd.s32 $0xFFFFC000  }
0x1e: {  	s18 =	sadd.s32 $0x0, s10;
	[bflag:$0x0] =	sbarrier.arrive $0xFFFF  }
0x1f: {  	[tilespmem:s3], [sflag:$0x1] =	stream.linear.gather [hbm4b:s18+s3], $0x100, $0x38;
	[tilespmem:$0x1BD00] =	vst v63  }
0x20: {  	_ =	swait.ge [sflag:s15], $0x100  }
0x21: {  	[sflag:s15] =	ssyncset.done $0x0  }
0x22: {  	[sflag:s15] =	ssyncadd.s32 $0xFFFFFF00  }
0x23: {  	[spmem:s2] =	stream.indirect.scatter.add.f32 [tilespmem:s13], [sflag:$0x2], $0x80, s3, s16, $0xb8;
	[tilespmem:$0x1BD00] =	vst v63  }
0x24: {  	_ =	swait.ge [sflag:s12], $0x4000  }
0x25: {  	[sflag:s12] =	ssyncset.done $0x0  }
0x26: {  	[sflag:s12] =	ssyncadd.s32 $0xFFFFC000  }
0x27: {  	[spmem:s2] =	stream.indirect.scatter.add.f32 [tilespmem:s14], [sflag:$0x2], $0x80, s16, s16, $0xb8;
	[tilespmem:$0x1BD00] =	vst v63  }
0x28: {  	_ =	swait.ge [sflag:s12], $0x4000  }
0x29: {  	s19 =	simm.s32 $0x40;
	s18 =	simm.s32 $0x20;
	[sflag:s12] =	ssyncset.done $0x0  }
.LBB2_2:
0x2a: {  	s20 =	sadd.s32 s18, s10  }
0x2b: {  	[sflag:s12] =	ssyncadd.s32 $0xFFFFC000;
	s18 =	smov.u32 s19;
	s21 =	sadd.s32 $0x20, s19  }
0x2c: {  	[tilespmem:s3], [sflag:$0x1] =	stream.linear.gather [hbm4b:s20+s3], $0x100, $0x38;
	[tilespmem:$0x1BD00] =	vst v63  }
0x2d: {  	p0 =	sne.s32 s19, $0x9C0;
	_ =	swait.ge [sflag:s15], $0x100  }
0x2e: {  	[sflag:s15] =	ssyncset.done $0x0  }
0x2f: {  	[sflag:s15] =	ssyncadd.s32 $0xFFFFFF00  }
0x30: {  	[spmem:s2] =	stream.indirect.scatter.add.f32 [tilespmem:s13], [sflag:$0x2], $0x80, s3, s16, $0xb8;
	[tilespmem:$0x1BD00] =	vst v63  }
0x31: {  	_ =	swait.ge [sflag:s12], $0x4000  }
.Ltmp0:
0x32: {  	[sflag:s12] =	ssyncset.done $0x0;
	(pc) =	sbr.rel @p0 .LBB2_2-.Ltmp0, $4  }
0x33: {  	[sflag:s12] =	ssyncadd.s32 $0xFFFFC000  }
0x34: {  	[spmem:s2] =	stream.indirect.scatter.add.f32 [tilespmem:s14], [sflag:$0x2], $0x80, s16, s16, $0xb8;
	[tilespmem:$0x1BD00] =	vst v63  }
0x35: {  	_ =	swait.ge [sflag:s12], $0x4000  }
0x36: {  	s19 =	smov.u32 s21;
	[sflag:s12] =	ssyncset.done $0x0  }
0x37: {  	s18 =	sadd.s32 s18, s10;
	[sflag:s12] =	ssyncadd.s32 $0xFFFFC000  }
0x38: {  	[tilespmem:s3], [sflag:$0x1] =	stream.linear.gather [hbm4b:s18+s3], $0x100, $0x38;
	[tilespmem:$0x1BD00] =	vst v63  }
0x39: {  	_ =	swait.ge [sflag:s15], $0x100  }
0x3a: {  	[sflag:s15] =	ssyncset.done $0x0  }
0x3b: {  	[sflag:s15] =	ssyncadd.s32 $0xFFFFFF00  }
0x3c: {  	[spmem:s2] =	stream.indirect.scatter.add.f32 [tilespmem:s13], [sflag:$0x2], $0x80, s3, s16, $0xb8;
	[tilespmem:$0x1BD00] =	vst v63  }
0x3d: {  	_ =	swait.ge [sflag:s12], $0x4000  }
0x3e: {  	[sflag:s12] =	ssyncset.done $0x0  }
0x3f: {  	[sflag:s12] =	ssyncadd.s32 $0xFFFFC000  }
0x40: {  	[spmem:s2] =	stream.indirect.scatter.add.f32 [tilespmem:s14], [sflag:$0x2], $0x80, s16, s16, $0xb8;
	[tilespmem:$0x1BD00] =	vst v63  }
0x41: {  	_ =	swait.ge [sflag:s12], $0x4000  }
0x42: {  	s17 =	sadd.s32 $0x1, s17;
	[sflag:s12] =	ssyncset.done $0x0  }
0x43: {  	p0 =	sne.s32 s17, s9;
	[sflag:s12] =	ssyncadd.s32 $0xFFFFC000  }
.Ltmp1:
0x44: {  	[bflag:$0x0] =	sbarrier.arrive $0xFFFF;
	(pc) =	sbr.rel @p0 .LBB2_1-.Ltmp1, $4  }
0x45: {  	[hbm:s8], [sflag:s6] =	dma.local [spmem:s11], $0x2780  }
0x46: {  	_ =	swait.ge [sflag:s12], $0x2780  }
0x47: {  	[sflag:s12] =	ssyncset.done $0x0  }
0x48: {  	[sflag:s12] =	ssyncadd.s32 $0xFFFFD880  }
0x49: {  	_ =	sfence.sel $0x180000  }
0x4a: {  	[bflag:$0x0] =	sbarrier.arrive $0xFFFF  }
0x4b: {  	p0 =	sne.s32 s1, $0x0;
	_ =	strace $0x90000047  }
0x4c: {  	s0 =	sadd.s32 @!p0 $0x100000, s0;
	[bflag:$0x2] =	sbarrier.arrive $0xFFFF  }
0x4d: {  	[sflag:s0] =	ssyncadd.tile.s32 @!p0 $0x1;
	_ =	shalt  }
.Lfunc_end2:
_tile_overlayer_lowered:
.L_overlay_start_2:
0x4e: {  	(tag) =	ssettag $0x2  }
0x4f: {  	s0 =	rddreg [dreg:$0x0];
	s2 =	stileid.u32  }
0x50: {  	s1 =	rddreg [dreg:$0x1];
	p0 =	sne.s32 s2, $0x0  }
0x51: {  	s3 =	rddreg [dreg:$0x2];
	[bflag:$0x3] =	sbarrier.arrive $0xFFFF;
	s2 =	simm.s32 @!p0 $0x1C02  }
0x52: {  	[timem:s3], [sflag:s2] =	dma.local @!p0 [hbm:s0], s1  }
0x53: {  	s0 =	simm.s32 @!p0 $0x2  }
0x54: {  	_ =	swait.ge @!p0 [sflag:s0], s1  }
0x55: {  	s1 =	ssub.s32 @!p0 $0x0, s1;
	[sflag:s0] =	ssyncset.done @!p0 $0x0  }
0x56: {  	[sflag:s0] =	ssyncadd.s32 @!p0 s1  }
0x57: {  	[bflag:$0x3] =	sbarrier.arrive $0xFFFF  }
0x58: {  	_ =	shalt  }

// kernel: kernel.13.cloned.1.call-start
scs
__scs_entry_jumppad:
0x0: {  	(pc) =	sbr.rel $0x88, $3  }
0x1: {  	(tag) =	ssettag $0x0;
	lr =	simm.s32 $0x1  }
0x2: {  	[smem:$0x3F97] =	sst lr;
	_ =	strace $0xD0000000  }
0x3: {  	_ = 	snop  }
0x4: {  	_ = 	snop  }
0x5: {  	_ = 	snop  }
0x6: {  	_ = 	snop  }
0x7: {  	_ = 	snop  }
__scs_overlays_trampoline_lowered:
0x8: {  	[smem:$0x3FA6] =	sst s0  }
0x9: {  	[smem:$0x3FA7] =	sst s1  }
0xa: {  	[smem:$0x3FA8] =	sst s2  }
0xb: {  	[smem:$0x3FA9] =	sst s3  }
0xc: {  	[smem:$0x3FAA] =	sst s4  }
0xd: {  	[smem:$0x3FAB] =	sst s5  }
0xe: {  	[smem:$0x3FAC] =	sst s6  }
0xf: {  	[smem:$0x3FAD] =	sst s7  }
0x10: {  	[smem:$0x3FAE] =	sst s8  }
0x11: {  	[smem:$0x3FAF] =	sst s9;
	s0 =	simm.s32 @!p0 $0x0  }
0x12: {  	s1 =	sld [smem:$0x3F95];
	s0 =	simm.s32 @p0 $0x1  }
0x13: {  	[smem:$0x3FB0] =	sst s0;
	s0 =	simm.s32 @!p1 $0x0  }
0x14: {  	s2 =	sld [smem:$0x3F94];
	s0 =	simm.s32 @p1 $0x1  }
0x15: {  	[smem:$0x3FB1] =	sst s0;
	s0 =	simm.s32 @!p2 $0x0  }
0x16: {  	s3 =	sld [smem:$0x3FDB];
	s0 =	simm.s32 @p2 $0x1  }
0x17: {  	s4 =	simm.s32 $0x1BF5;
	[smem:$0x3FB3] =	sst s0  }
0x18: {  	s0 =	sld [smem:$0x3F96];
	_ =	swait.ge [sflag:s4], $0x0  }
0x19: {  	s7 =	sld [smem:$0x3F97]  }
0x1a: {  	s8 =	sadd.s32 $0xFFFFE003, lr  }
0x1b: {  	s9 =	sadd.s32 $0xFFFFFEF7, lr;
	s5 =	simm.s32 $0xFFFFFFFF;
	p2 =	slt.u32 s8, $0xFFFFF086  }
0x1c: {  	p1 =	slt.u32 s9, $0xF7A;
	s5 =	simm.s32 @!p2 $0x0  }
0x1d: {  	s5 =	simm.s32 @p1 $0x1;
	p0 =	seq.s32 s7, s2  }
0x1e: {  	s7 =	smul.u32 @!p0 $0xF7A, s2;
	p2 =	seq.s32 @!p0 s5, $0x0  }
0x1f: {  	s9 =	smul.u32 $0xF7A, s1;
	s8 =	simm.s32 @!p0 $0x1BF5;
	p2 =	por !p2, p0  }
0x20: {  	[sflag:s8] =	ssyncset.s32 @!p0 $0xFFFFF086;
	s6 =	sadd.s32 @!p0 s3, s7;
	s7 =	simm.s32 @!p0 $0x108  }
0x21: {  	s3 =	sadd.s32 s3, s9;
	s6 =	sadd.s32 @!p0 $0x88, s6;
	s7 =	simm.s32 @p2 $0x1082  }
0x22: {  	[simem:s7], [sflag:s8] =	dma.local @!p0 [hbm:s6], $0xF7A  }
0x23: {  	s9 =	sor.u32 $0xD0000000, s2;
	s6 =	simm.s32 $0x108;
	_ =	swait.ge @!p0 [sflag:s8], $0x0  }
0x24: {  	s3 =	sadd.s32 $0x88, s3;
	s6 =	simm.s32 @!p1 $0x1082;
	[sflag:s4] =	ssyncset.s32 $0xFFFFF086  }
0x25: {  	[simem:s6], [sflag:s4] =	dma.local [hbm:s3], $0xF7A  }
0x26: {  	[smem:$0x3F97] =	sst s1;
	(tag) =	ssettag s2;
	_ =	strace s9  }
0x27: {  	s1 =	sld [smem:$0x3FA7]  }
0x28: {  	s2 =	sld [smem:$0x3FA8]  }
0x29: {  	s4 =	sld [smem:$0x3FAA]  }
0x2a: {  	p0 =	seq.s32 s5, $0x0;
	s5 =	sld [smem:$0x3FAB]  }
0x2b: {  	s6 =	sld [smem:$0x3FAC]  }
0x2c: {  	s7 =	sld [smem:$0x3FAD]  }
0x2d: {  	s3 =	simm.s32 $0x108;
	s8 =	sld [smem:$0x3FAE]  }
0x2e: {  	s3 =	simm.s32 @!p0 $0x1082;
	s9 =	sld [smem:$0x3FAF]  }
0x2f: {  	lr =	sadd.s32 s0, s3;
	s0 =	sld [smem:$0x3FA6]  }
0x30: {  	s3 =	sld [smem:$0x3FA9]  }
0x31: {  	[smem:$0x3FB2] =	sst s10  }
0x32: {  	s10 =	sld [smem:$0x3FB0];
	_ =	sdelay $0x3  }
0x33: {  	p0 =	seq.s32 s10, $0x1;
	s10 =	sld [smem:$0x3FB2];
	_ =	sdelay $0x3  }
0x34: {  	[smem:$0x3FB2] =	sst s10  }
0x35: {  	s10 =	sld [smem:$0x3FB1];
	_ =	sdelay $0x3  }
0x36: {  	p1 =	seq.s32 s10, $0x1;
	s10 =	sld [smem:$0x3FB2];
	_ =	sdelay $0x3  }
0x37: {  	[smem:$0x3FB2] =	sst s10  }
0x38: {  	s10 =	sld [smem:$0x3FB3]  }
0x39: {  	_ = 	snop;
	(pc) =	sbr.ind lr, $3  }
0x3a: {  	_ = 	snop  }
0x3b: {  	_ = 	snop  }
0x3c: {  	p2 =	seq.s32 s10, $0x1;
	s10 =	sld [smem:$0x3FB2]  }
0x3d: {  	_ =	shalt  }
0x3e: {  	_ =	shalt  }
0x3f: {  	_ =	shalt  }
0x40: {  	_ =	shalt  }
0x41: {  	_ =	shalt  }
0x42: {  	_ =	shalt  }
0x43: {  	_ =	shalt  }
0x44: {  	_ =	shalt  }
0x45: {  	_ =	shalt  }
0x46: {  	_ =	shalt  }
0x47: {  	_ =	shalt  }
0x48: {  	_ =	shalt  }
0x49: {  	_ =	shalt  }
0x4a: {  	_ =	shalt  }
0x4b: {  	_ =	shalt  }
0x4c: {  	_ =	shalt  }
0x4d: {  	_ =	shalt  }
0x4e: {  	_ =	shalt  }
0x4f: {  	_ =	shalt  }
0x50: {  	_ =	shalt  }
0x51: {  	_ =	shalt  }
0x52: {  	_ =	shalt  }
0x53: {  	_ =	shalt  }
0x54: {  	_ =	shalt  }
0x55: {  	_ =	shalt  }
0x56: {  	_ =	shalt  }
0x57: {  	_ =	shalt  }
0x58: {  	_ =	shalt  }
0x59: {  	_ =	shalt  }
0x5a: {  	_ =	shalt  }
0x5b: {  	_ =	shalt  }
0x5c: {  	_ =	shalt  }
0x5d: {  	_ =	shalt  }
0x5e: {  	_ =	shalt  }
0x5f: {  	_ =	shalt  }
0x60: {  	_ =	shalt  }
0x61: {  	_ =	shalt  }
0x62: {  	_ =	shalt  }
0x63: {  	_ =	shalt  }
0x64: {  	_ =	shalt  }
0x65: {  	_ =	shalt  }
0x66: {  	_ =	shalt  }
0x67: {  	_ =	shalt  }
0x68: {  	_ =	shalt  }
0x69: {  	_ =	shalt  }
0x6a: {  	_ =	shalt  }
0x6b: {  	_ =	shalt  }
0x6c: {  	_ =	shalt  }
0x6d: {  	_ =	shalt  }
0x6e: {  	_ =	shalt  }
0x6f: {  	_ =	shalt  }
0x70: {  	_ =	shalt  }
0x71: {  	_ =	shalt  }
0x72: {  	_ =	shalt  }
0x73: {  	_ =	shalt  }
0x74: {  	_ =	shalt  }
0x75: {  	_ =	shalt  }
0x76: {  	_ =	shalt  }
0x77: {  	_ =	shalt  }
0x78: {  	_ =	shalt  }
0x79: {  	_ =	shalt  }
0x7a: {  	_ =	shalt  }
0x7b: {  	_ =	shalt  }
0x7c: {  	_ =	shalt  }
0x7d: {  	_ =	shalt  }
0x7e: {  	_ =	shalt  }
0x7f: {  	_ =	shalt  }
0x80: {  	_ =	shalt  }
0x81: {  	_ =	shalt  }
0x82: {  	_ =	shalt  }
0x83: {  	_ =	shalt  }
0x84: {  	_ =	shalt  }
0x85: {  	_ =	shalt  }
0x86: {  	_ =	shalt  }
0x87: {  	_ =	shalt  }
.Lfunc_end0:
.L_simem_size_0:
called_computation.1_lowered:
.L_overlay_start_0:
0x88: {  	s2 =	sld [smem:$0x3FD9]  }
0x89: {  	s3 =	sld [smem:$0x3FFE];
	_ =	sdelay $0x1  }
0x8a: {  	s1 =	srdreg.scid  }
0x8b: {  	s0 =	sand.u32 $0x1, s1  }
0x8c: {  	s17 =	sshll.u32 s0, $0xA;
	s2 =	sadd.s32 s3, s2  }
0x8d: {  	s2 =	sadd.s32 s2, s17  }
0x8e: {  	[smem:$0x3FBE] =	sst s2  }
0x8f: {  	_ = 	snop  }
0x90: {  	s2 =	sld [smem:$0x3FD0];
	(tm) =	ssettm $0x1  }
0x91: {  	s18 =	sld [smem:$0x3FFB];
	_ =	sdelay $0x3  }
0x92: {  	_ =	strace s18  }
0x93: {  	s3 =	sld [smem:$0x3FFC];
	_ =	sdelay $0x3  }
0x94: {  	_ =	strace s3  }
0x95: {  	s3 =	sld [smem:$0x3FFD];
	_ =	sdelay $0x3  }
0x96: {  	_ =	strace s3  }
0x97: {  	_ =	strace $0x8FFFFFFF  }
0x98: {  	s19 =	sld [smem:$0x3FDB];
	_ =	sdelay $0x1  }
0x99: {  	s4 =	simm.s32 $_scs_section_size  }
0x9a: {  	s5 =	simm.s32 $_size__tile_overlayer_lowered;
	s6 =	simm.s32 $_tile_overlayer_lowered  }
0x9b: {  	s22 =	simm.s32 $0x1BFF;
	s21 =	sshll.u32 s6, $0x1;
	s3 =	sadd.s32 s4, s19  }
0x9c: {  	s7 =	simm.s32 $0x0;
	s20 =	sshll.u32 s5, $0x1;
	s5 =	sadd.s32 s21, s3  }
0x9d: {  	[timem:s7], [sflag:s22] =	dma.local [hbm:s5], s20  }
0x9e: {  	_ =	swait.ge [sflag:s22], s20  }
0x9f: {  	s4 =	ssub.s32 $0x0, s20;
	[sflag:s22] =	ssyncset.done $0x0  }
0xa0: {  	[sflag:s22] =	ssyncadd.s32 s4;
	_ =	sdelay $0x1  }
0xa1: {  	s23 =	simm.s32 $0x1B8B  }
0xa2: {  	_ =	swait.ge [sflag:s23], $0x1  }
0xa3: {  	[sflag:s23] =	ssyncset.done $0x0  }
0xa4: {  	s25 =	simm.s32 $0x1B8E;
	s24 =	sld [smem:$0x3FFE];
	[sflag:s23] =	ssyncadd.s32 $0xFFFFFFFF  }
0xa5: {  	s26 =	simm.s32 $execute0_lowered;
	[smem:$0x3FD2] =	sst s25  }
0xa6: {  	s5 =	sshll.u32 s26, $0x1;
	_ =	strace $0x80000049;
	[dreg:$0x1] =	wrdreg $0xFFFFFFFF  }
0xa7: {  	s28 =	simm.s32 $_size_execute0_lowered;
	s3 =	sadd.s32 s3, s5;
	[dreg:$0x0] =	wrdreg $0x0  }
0xa8: {  	s5 =	sshll.u32 s28, $0x1;
	[dreg:$0x2] =	wrdreg s3  }
0xa9: {  	[dreg:$0x3] =	wrdreg s5  }
0xaa: {  	[dreg:$0x4] =	wrdreg $0xC0  }
0xab: {  	_ =	task [dreg:s7], $0x5FFFF  }
0xac: {  	[dreg:$0x1] =	wrdreg $0xFFFFFFFF  }
0xad: {  	[dreg:$0x0] =	wrdreg $0x60  }
0xae: {  	[dreg:$0x2] =	wrdreg s2  }
0xaf: {  	[dreg:$0x3] =	wrdreg s24  }
0xb0: {  	[dreg:$0x4] =	wrdreg $0x90000  }
0xb1: {  	[dreg:$0x5] =	wrdreg $0x9  }
0xb2: {  	_ =	task.clear_ibuf [dreg:s7], $0x6FFFF;
	_ =	strace $0x90000049  }
0xb3: {  	s29 =	simm.s32 $0x9;
	_ =	strace $0x8000004B  }
0xb4: {  	_ =	swait.ge [sflag:s29], $0x1  }
0xb5: {  	[sflag:s29] =	ssyncadd.s32 $0xFFFFFFFF  }
0xb6: {  	_ =	strace $0x9000004B  }
0xb7: {  	_ =	sfence  }
0xb8: {  	s30 =	sld [smem:$0x0];
	_ =	sdelay $0x2  }
0xb9: {  	s31 =	sshll.u32 s1, $0xD;
	s1 =	sshrl.u32 s1, $0x2  }
0xba: {  	s3 =	sand.u32 $0x4000, s31;
	s1 =	sadd.s32 s1, s30  }
0xbb: {  	s0 =	sor.u32 s3, s0;
	s1 =	sshll.u32 s1, $0x11  }
0xbc: {  	s0 =	sor.u32 s1, s0  }
0xbd: {  	s0 =	sadd.s32 $0x8F2B, s0  }
0xbe: {  	[sflag:s0] =	ssyncadd.remote.s32 $0x1  }
0xbf: {  	_ =	sfence.sel $0xFFFF  }
0xc0: {  	[dreg:$0x0] =	wrdreg $0xFFFFFFFF;
	(pc) =	sbr.abs _section_cstart, $3  }
0xc1: {  	[dreg:$0x1] =	wrdreg $0xFFFFFFFF  }
0xc2: {  	_ =	task.clear_ibuf [dreg:s7], $0x2FFFF;
	_ =	strace $0x9FFFFFFF  }
0xc3: {  	(tm) =	ssettm $0x7FFFFFFF  }
tec
execute0_lowered:
.L_overlay_start_1:
0x0: {  	(tag) =	ssettag $0x1  }
0x1: {  	s1 =	rddreg [dreg:$0x0]  }
0x2: {  	s6 =	rddreg [dreg:$0x1]  }
0x3: {  	s0 =	srdreg.scid;
	s3 =	rddreg [dreg:$0x2];
	s4 =	simm.s32 $0x0  }
0x4: {  	s14 =	simm.s32 $0x80;
	s5 =	sand.u32 $0x1, s0;
	s0 =	stileid.u32  }
0x5: {  	s15 =	simm.s32 $0x5000;
	s16 =	simm.s32 $0x1;
	s8 =	smul.u32 $0x13C00, s0  }
0x6: {  	s17 =	simm.s32 $0x0;
	[smem:$0x7FF] =	sst s4;
	s9 =	smul.u32 $0x13C000, s5  }
0x7: {  	s2 =	sshll.u32 s5, $0x4;
	s5 =	ssub.s32 $0x2, s5;
	s29 =	smul.u32 $0x4F000, s0  }
0x8: {  	s31 =	sshll.u32 s0, $0x6;
	s2 =	sor.u32 s0, s2;
	s11 =	sshrl.u32 s5, $0x1  }
0x9: {  	s7 =	smul.u32 $0x500, s2;
	s2 =	rddreg [dreg:$0x3];
	_ =	strace $0x8000004A  }
0xa: {  	s28 =	sshrl.u32 s8, $0x3;
	s8 =	sadd.s32 s8, s9;
	s30 =	sshrl.u32 s29, $0x2  }
0xb: {  	s11 =	ssub.s32 s5, s11;
	s8 =	sshrl.u32 s8, $0x3;
	s13 =	sadd.s32 s30, s3  }
0xc: {  	s10 =	sadd.s32 s7, s6;
	s7 =	sadd.s32 s28, s6;
	s12 =	sadd.s32 s8, s6  }
0xd: {  	s6 =	sor.u32 $0x1C02, s31;
	s5 =	sadd.s32 $0x4E00, s7;
	s7 =	sadd.s32 $0x85600, s10  }
0xe: {  	s8 =	sadd.s32 $0x7B600, s10;
	s9 =	sadd.s32 $0x8F600, s12;
	s10 =	smax.u32 s11, $0x1  }
0xf: {  	s11 =	sshrl.u32 s13, $0x3;
	s12 =	simm.s32 $0x2;
	s13 =	simm.s32 $0x2800  }
.LBB2_1:
0x10: {  	[spmem:s11], [sflag:s6] =	dma.local [hbm:s5], $0x2780  }
0x11: {  	_ =	swait.ge [sflag:s12], $0x2780  }
0x12: {  	[sflag:s12] =	ssyncset.done $0x0  }
0x13: {  	[sflag:s12] =	ssyncadd.s32 $0xFFFFD880  }
0x14: {  	[tilespmem:s4], [sflag:$0x2] =	stream.linear.gather [hbm4b:s7+s4], $0x2780, $0x38;
	[tilespmem:$0x1CC00] =	vst v63  }
0x15: {  	_ =	swait.ge [sflag:s12], $0x2780  }
0x16: {  	[sflag:s12] =	ssyncset.done $0x0  }
0x17: {  	[sflag:s12] =	ssyncadd.s32 $0xFFFFD880  }
0x18: {  	[tilespmem:s13], [sflag:$0x2] =	stream.linear.gather [hbm4b:s8+s4], $0x2780, $0x38;
	[tilespmem:$0x1CC00] =	vst v63  }
0x19: {  	_ =	swait.ge [sflag:s12], $0x2780  }
0x1a: {  	[sflag:s12] =	ssyncset.done $0x0  }
0x1b: {  	[sflag:s12] =	ssyncadd.s32 $0xFFFFD880  }
0x1c: {  	s18 =	simm.s32 $0x0;
	[bflag:$0x0] =	sbarrier.arrive $0xFFFF  }
0x1d: {  	[tilespmem:s15], [sflag:$0x1] =	stream.indirect.gather [hbm4b:s1+s14], $0x80, s18, s14, $0xb8;
	[tilespmem:$0x1CC00] =	vst v63  }
0x1e: {  	_ =	swait.ge [sflag:s16], $0x4000  }
0x1f: {  	[sflag:s16] =	ssyncset.done $0x0  }
0x20: {  	s31 =	simm.s32 $0x2800;
	[sflag:s16] =	ssyncadd.s32 $0xFFFFC000  }
0x21: {  	[spmem:s3] =	stream.indirect.scatter.add.f32 [tilespmem:s15], [sflag:$0x2], $0x80, s31, s14, $0xb8;
	[tilespmem:$0x1CC00] =	vst v63  }
0x22: {  	_ =	swait.ge [sflag:s12], $0x4000  }
0x23: {  	s19 =	simm.s32 $0x400;
	s18 =	simm.s32 $0x200;
	[sflag:s12] =	ssyncset.done $0x0  }
.LBB2_2:
0x24: {  	s20 =	sshra.s32 s18, $0x2  }
0x25: {  	[sflag:s12] =	ssyncadd.s32 $0xFFFFC000;
	s18 =	smov.u32 s19;
	s21 =	sadd.s32 $0x200, s19  }
0x26: {  	[tilespmem:s15], [sflag:$0x1] =	stream.indirect.gather [hbm4b:s1+s14], $0x80, s20, s14, $0xb8;
	[tilespmem:$0x1CC00] =	vst v63  }
0x27: {  	p0 =	sne.s32 s19, $0x9C00;
	_ =	swait.ge [sflag:s16], $0x4000  }
.Ltmp0:
0x28: {  	[sflag:s16] =	ssyncset.done $0x0;
	(pc) =	sbr.rel @p0 .LBB2_2-.Ltmp0, $4  }
0x29: {  	s19 =	sadd.s32 $0x2800, s20;
	[sflag:s16] =	ssyncadd.s32 $0xFFFFC000  }
0x2a: {  	[spmem:s3] =	stream.indirect.scatter.add.f32 [tilespmem:s15], [sflag:$0x2], $0x80, s19, s14, $0xb8;
	[tilespmem:$0x1CC00] =	vst v63  }
0x2b: {  	_ =	swait.ge [sflag:s12], $0x4000  }
0x2c: {  	s19 =	smov.u32 s21;
	[sflag:s12] =	ssyncset.done $0x0  }
0x2d: {  	s18 =	sshra.s32 s18, $0x2;
	[sflag:s12] =	ssyncadd.s32 $0xFFFFC000  }
0x2e: {  	[tilespmem:s15], [sflag:$0x1] =	stream.indirect.gather [hbm4b:s1+s14], $0x80, s18, s14, $0xb8;
	[tilespmem:$0x1CC00] =	vst v63  }
0x2f: {  	_ =	swait.ge [sflag:s16], $0x4000  }
0x30: {  	[sflag:s16] =	ssyncset.done $0x0  }
0x31: {  	s18 =	sadd.s32 $0x2800, s18;
	[sflag:s16] =	ssyncadd.s32 $0xFFFFC000  }
0x32: {  	[spmem:s3] =	stream.indirect.scatter.add.f32 [tilespmem:s15], [sflag:$0x2], $0x80, s18, s14, $0xb8;
	[tilespmem:$0x1CC00] =	vst v63  }
0x33: {  	_ =	swait.ge [sflag:s12], $0x4000  }
0x34: {  	s17 =	sadd.s32 $0x1, s17;
	[sflag:s12] =	ssyncset.done $0x0  }
0x35: {  	p0 =	sne.s32 s17, s10;
	[sflag:s12] =	ssyncadd.s32 $0xFFFFC000  }
.Ltmp1:
0x36: {  	[bflag:$0x0] =	sbarrier.arrive $0xFFFF;
	(pc) =	sbr.rel @p0 .LBB2_1-.Ltmp1, $4  }
0x37: {  	[hbm:s9], [sflag:s6] =	dma.local [spmem:s11], $0x2780  }
0x38: {  	_ =	swait.ge [sflag:s12], $0x2780  }
0x39: {  	[sflag:s12] =	ssyncset.done $0x0  }
0x3a: {  	[sflag:s12] =	ssyncadd.s32 $0xFFFFD880  }
0x3b: {  	_ =	sfence.sel $0x180000  }
0x3c: {  	[bflag:$0x0] =	sbarrier.arrive $0xFFFF  }
0x3d: {  	p0 =	sne.s32 s0, $0x0;
	_ =	strace $0x9000004A  }
0x3e: {  	s0 =	sadd.s32 @!p0 $0x100000, s2;
	[bflag:$0x2] =	sbarrier.arrive $0xFFFF  }
0x3f: {  	[sflag:s0] =	ssyncadd.tile.s32 @!p0 $0x1;
	_ =	shalt  }
.Lfunc_end2:
_tile_overlayer_lowered:
.L_overlay_start_2:
0x40: {  	(tag) =	ssettag $0x2  }
0x41: {  	s0 =	rddreg [dreg:$0x0];
	s2 =	stileid.u32  }
0x42: {  	s1 =	rddreg [dreg:$0x1];
	p0 =	sne.s32 s2, $0x0  }
0x43: {  	s3 =	rddreg [dreg:$0x2];
	[bflag:$0x3] =	sbarrier.arrive $0xFFFF;
	s2 =	simm.s32 @!p0 $0x1C02  }
0x44: {  	[timem:s3], [sflag:s2] =	dma.local @!p0 [hbm:s0], s1  }
0x45: {  	s0 =	simm.s32 @!p0 $0x2  }
0x46: {  	_ =	swait.ge @!p0 [sflag:s0], s1  }
0x47: {  	s1 =	ssub.s32 @!p0 $0x0, s1;
	[sflag:s0] =	ssyncset.done @!p0 $0x0  }
0x48: {  	[sflag:s0] =	ssyncadd.s32 @!p0 s1  }
0x49: {  	[bflag:$0x3] =	sbarrier.arrive $0xFFFF  }
0x4a: {  	_ =	shalt  }

// kernel: kernel.16.cloned.1.call-start
scs
__scs_entry_jumppad:
0x0: {  	(pc) =	sbr.rel $0x88, $3  }
0x1: {  	(tag) =	ssettag $0x0;
	lr =	simm.s32 $0x1  }
0x2: {  	[smem:$0x3F97] =	sst lr;
	_ =	strace $0xD0000000  }
0x3: {  	_ = 	snop  }
0x4: {  	_ = 	snop  }
0x5: {  	_ = 	snop  }
0x6: {  	_ = 	snop  }
0x7: {  	_ = 	snop  }
__scs_overlays_trampoline_lowered:
0x8: {  	[smem:$0x3FA6] =	sst s0  }
0x9: {  	[smem:$0x3FA7] =	sst s1  }
0xa: {  	[smem:$0x3FA8] =	sst s2  }
0xb: {  	[smem:$0x3FA9] =	sst s3  }
0xc: {  	[smem:$0x3FAA] =	sst s4  }
0xd: {  	[smem:$0x3FAB] =	sst s5  }
0xe: {  	[smem:$0x3FAC] =	sst s6  }
0xf: {  	[smem:$0x3FAD] =	sst s7  }
0x10: {  	[smem:$0x3FAE] =	sst s8  }
0x11: {  	[smem:$0x3FAF] =	sst s9;
	s0 =	simm.s32 @!p0 $0x0  }
0x12: {  	s1 =	sld [smem:$0x3F95];
	s0 =	simm.s32 @p0 $0x1  }
0x13: {  	[smem:$0x3FB0] =	sst s0;
	s0 =	simm.s32 @!p1 $0x0  }
0x14: {  	s2 =	sld [smem:$0x3F94];
	s0 =	simm.s32 @p1 $0x1  }
0x15: {  	[smem:$0x3FB1] =	sst s0;
	s0 =	simm.s32 @!p2 $0x0  }
0x16: {  	s3 =	sld [smem:$0x3FDB];
	s0 =	simm.s32 @p2 $0x1  }
0x17: {  	s4 =	simm.s32 $0x1BF5;
	[smem:$0x3FB3] =	sst s0  }
0x18: {  	s0 =	sld [smem:$0x3F96];
	_ =	swait.ge [sflag:s4], $0x0  }
0x19: {  	s7 =	sld [smem:$0x3F97]  }
0x1a: {  	s8 =	sadd.s32 $0xFFFFE003, lr  }
0x1b: {  	s9 =	sadd.s32 $0xFFFFFEF7, lr;
	s5 =	simm.s32 $0xFFFFFFFF;
	p2 =	slt.u32 s8, $0xFFFFF086  }
0x1c: {  	p1 =	slt.u32 s9, $0xF7A;
	s5 =	simm.s32 @!p2 $0x0  }
0x1d: {  	s5 =	simm.s32 @p1 $0x1;
	p0 =	seq.s32 s7, s2  }
0x1e: {  	s7 =	smul.u32 @!p0 $0xF7A, s2;
	p2 =	seq.s32 @!p0 s5, $0x0  }
0x1f: {  	s9 =	smul.u32 $0xF7A, s1;
	s8 =	simm.s32 @!p0 $0x1BF5;
	p2 =	por !p2, p0  }
0x20: {  	[sflag:s8] =	ssyncset.s32 @!p0 $0xFFFFF086;
	s6 =	sadd.s32 @!p0 s3, s7;
	s7 =	simm.s32 @!p0 $0x108  }
0x21: {  	s3 =	sadd.s32 s3, s9;
	s6 =	sadd.s32 @!p0 $0x88, s6;
	s7 =	simm.s32 @p2 $0x1082  }
0x22: {  	[simem:s7], [sflag:s8] =	dma.local @!p0 [hbm:s6], $0xF7A  }
0x23: {  	s9 =	sor.u32 $0xD0000000, s2;
	s6 =	simm.s32 $0x108;
	_ =	swait.ge @!p0 [sflag:s8], $0x0  }
0x24: {  	s3 =	sadd.s32 $0x88, s3;
	s6 =	simm.s32 @!p1 $0x1082;
	[sflag:s4] =	ssyncset.s32 $0xFFFFF086  }
0x25: {  	[simem:s6], [sflag:s4] =	dma.local [hbm:s3], $0xF7A  }
0x26: {  	[smem:$0x3F97] =	sst s1;
	(tag) =	ssettag s2;
	_ =	strace s9  }
0x27: {  	s1 =	sld [smem:$0x3FA7]  }
0x28: {  	s2 =	sld [smem:$0x3FA8]  }
0x29: {  	s4 =	sld [smem:$0x3FAA]  }
0x2a: {  	p0 =	seq.s32 s5, $0x0;
	s5 =	sld [smem:$0x3FAB]  }
0x2b: {  	s6 =	sld [smem:$0x3FAC]  }
0x2c: {  	s7 =	sld [smem:$0x3FAD]  }
0x2d: {  	s3 =	simm.s32 $0x108;
	s8 =	sld [smem:$0x3FAE]  }
0x2e: {  	s3 =	simm.s32 @!p0 $0x1082;
	s9 =	sld [smem:$0x3FAF]  }
0x2f: {  	lr =	sadd.s32 s0, s3;
	s0 =	sld [smem:$0x3FA6]  }
0x30: {  	s3 =	sld [smem:$0x3FA9]  }
0x31: {  	[smem:$0x3FB2] =	sst s10  }
0x32: {  	s10 =	sld [smem:$0x3FB0];
	_ =	sdelay $0x3  }
0x33: {  	p0 =	seq.s32 s10, $0x1;
	s10 =	sld [smem:$0x3FB2];
	_ =	sdelay $0x3  }
0x34: {  	[smem:$0x3FB2] =	sst s10  }
0x35: {  	s10 =	sld [smem:$0x3FB1];
	_ =	sdelay $0x3  }
0x36: {  	p1 =	seq.s32 s10, $0x1;
	s10 =	sld [smem:$0x3FB2];
	_ =	sdelay $0x3  }
0x37: {  	[smem:$0x3FB2] =	sst s10  }
0x38: {  	s10 =	sld [smem:$0x3FB3]  }
0x39: {  	_ = 	snop;
	(pc) =	sbr.ind lr, $3  }
0x3a: {  	_ = 	snop  }
0x3b: {  	_ = 	snop  }
0x3c: {  	p2 =	seq.s32 s10, $0x1;
	s10 =	sld [smem:$0x3FB2]  }
0x3d: {  	_ =	shalt  }
0x3e: {  	_ =	shalt  }
0x3f: {  	_ =	shalt  }
0x40: {  	_ =	shalt  }
0x41: {  	_ =	shalt  }
0x42: {  	_ =	shalt  }
0x43: {  	_ =	shalt  }
0x44: {  	_ =	shalt  }
0x45: {  	_ =	shalt  }
0x46: {  	_ =	shalt  }
0x47: {  	_ =	shalt  }
0x48: {  	_ =	shalt  }
0x49: {  	_ =	shalt  }
0x4a: {  	_ =	shalt  }
0x4b: {  	_ =	shalt  }
0x4c: {  	_ =	shalt  }
0x4d: {  	_ =	shalt  }
0x4e: {  	_ =	shalt  }
0x4f: {  	_ =	shalt  }
0x50: {  	_ =	shalt  }
0x51: {  	_ =	shalt  }
0x52: {  	_ =	shalt  }
0x53: {  	_ =	shalt  }
0x54: {  	_ =	shalt  }
0x55: {  	_ =	shalt  }
0x56: {  	_ =	shalt  }
0x57: {  	_ =	shalt  }
0x58: {  	_ =	shalt  }
0x59: {  	_ =	shalt  }
0x5a: {  	_ =	shalt  }
0x5b: {  	_ =	shalt  }
0x5c: {  	_ =	shalt  }
0x5d: {  	_ =	shalt  }
0x5e: {  	_ =	shalt  }
0x5f: {  	_ =	shalt  }
0x60: {  	_ =	shalt  }
0x61: {  	_ =	shalt  }
0x62: {  	_ =	shalt  }
0x63: {  	_ =	shalt  }
0x64: {  	_ =	shalt  }
0x65: {  	_ =	shalt  }
0x66: {  	_ =	shalt  }
0x67: {  	_ =	shalt  }
0x68: {  	_ =	shalt  }
0x69: {  	_ =	shalt  }
0x6a: {  	_ =	shalt  }
0x6b: {  	_ =	shalt  }
0x6c: {  	_ =	shalt  }
0x6d: {  	_ =	shalt  }
0x6e: {  	_ =	shalt  }
0x6f: {  	_ =	shalt  }
0x70: {  	_ =	shalt  }
0x71: {  	_ =	shalt  }
0x72: {  	_ =	shalt  }
0x73: {  	_ =	shalt  }
0x74: {  	_ =	shalt  }
0x75: {  	_ =	shalt  }
0x76: {  	_ =	shalt  }
0x77: {  	_ =	shalt  }
0x78: {  	_ =	shalt  }
0x79: {  	_ =	shalt  }
0x7a: {  	_ =	shalt  }
0x7b: {  	_ =	shalt  }
0x7c: {  	_ =	shalt  }
0x7d: {  	_ =	shalt  }
0x7e: {  	_ =	shalt  }
0x7f: {  	_ =	shalt  }
0x80: {  	_ =	shalt  }
0x81: {  	_ =	shalt  }
0x82: {  	_ =	shalt  }
0x83: {  	_ =	shalt  }
0x84: {  	_ =	shalt  }
0x85: {  	_ =	shalt  }
0x86: {  	_ =	shalt  }
0x87: {  	_ =	shalt  }
.Lfunc_end0:
.L_simem_size_0:
called_computation.2_lowered:
.L_overlay_start_0:
0x88: {  	s2 =	sld [smem:$0x3FD9]  }
0x89: {  	s3 =	sld [smem:$0x3FFE];
	_ =	sdelay $0x1  }
0x8a: {  	s1 =	srdreg.scid  }
0x8b: {  	s0 =	sand.u32 $0x1, s1  }
0x8c: {  	s17 =	sshll.u32 s0, $0xA;
	s2 =	sadd.s32 s3, s2  }
0x8d: {  	s2 =	sadd.s32 s2, s17  }
0x8e: {  	[smem:$0x3FBE] =	sst s2  }
0x8f: {  	_ = 	snop  }
0x90: {  	s2 =	sld [smem:$0x3FD0];
	(tm) =	ssettm $0x1  }
0x91: {  	s18 =	sld [smem:$0x3FFB];
	_ =	sdelay $0x3  }
0x92: {  	_ =	strace s18  }
0x93: {  	s3 =	sld [smem:$0x3FFC];
	_ =	sdelay $0x3  }
0x94: {  	_ =	strace s3  }
0x95: {  	s3 =	sld [smem:$0x3FFD];
	_ =	sdelay $0x3  }
0x96: {  	_ =	strace s3  }
0x97: {  	_ =	strace $0x8FFFFFFF  }
0x98: {  	s19 =	sld [smem:$0x3FDB];
	_ =	sdelay $0x1  }
0x99: {  	s4 =	simm.s32 $_scs_section_size  }
0x9a: {  	s5 =	simm.s32 $_size__tile_overlayer_lowered;
	s6 =	simm.s32 $_tile_overlayer_lowered  }
0x9b: {  	s22 =	simm.s32 $0x1BFF;
	s21 =	sshll.u32 s6, $0x1;
	s3 =	sadd.s32 s4, s19  }
0x9c: {  	s7 =	simm.s32 $0x0;
	s20 =	sshll.u32 s5, $0x1;
	s5 =	sadd.s32 s21, s3  }
0x9d: {  	[timem:s7], [sflag:s22] =	dma.local [hbm:s5], s20  }
0x9e: {  	_ =	swait.ge [sflag:s22], s20  }
0x9f: {  	s4 =	ssub.s32 $0x0, s20;
	[sflag:s22] =	ssyncset.done $0x0  }
0xa0: {  	[sflag:s22] =	ssyncadd.s32 s4;
	_ =	sdelay $0x1  }
0xa1: {  	s23 =	simm.s32 $0x1B8B  }
0xa2: {  	_ =	swait.ge [sflag:s23], $0x1  }
0xa3: {  	[sflag:s23] =	ssyncset.done $0x0  }
0xa4: {  	s25 =	simm.s32 $0x1B8E;
	s24 =	sld [smem:$0x3FFE];
	[sflag:s23] =	ssyncadd.s32 $0xFFFFFFFF  }
0xa5: {  	s26 =	simm.s32 $execute0_lowered;
	[smem:$0x3FD2] =	sst s25  }
0xa6: {  	s5 =	sshll.u32 s26, $0x1;
	_ =	strace $0x8000004C;
	[dreg:$0x1] =	wrdreg $0xFFFFFFFF  }
0xa7: {  	s28 =	simm.s32 $_size_execute0_lowered;
	s3 =	sadd.s32 s3, s5;
	[dreg:$0x0] =	wrdreg $0x0  }
0xa8: {  	s5 =	sshll.u32 s28, $0x1;
	[dreg:$0x2] =	wrdreg s3  }
0xa9: {  	[dreg:$0x3] =	wrdreg s5  }
0xaa: {  	[dreg:$0x4] =	wrdreg $0xC0  }
0xab: {  	_ =	task [dreg:s7], $0x5FFFF  }
0xac: {  	[dreg:$0x1] =	wrdreg $0xFFFFFFFF  }
0xad: {  	[dreg:$0x0] =	wrdreg $0x60  }
0xae: {  	[dreg:$0x2] =	wrdreg s2  }
0xaf: {  	[dreg:$0x3] =	wrdreg s24  }
0xb0: {  	[dreg:$0x4] =	wrdreg $0x90000  }
0xb1: {  	[dreg:$0x5] =	wrdreg $0x9  }
0xb2: {  	_ =	task.clear_ibuf [dreg:s7], $0x6FFFF;
	_ =	strace $0x9000004C  }
0xb3: {  	s29 =	simm.s32 $0x9;
	_ =	strace $0x8000004E  }
0xb4: {  	_ =	swait.ge [sflag:s29], $0x1  }
0xb5: {  	[sflag:s29] =	ssyncadd.s32 $0xFFFFFFFF  }
0xb6: {  	_ =	strace $0x9000004E  }
0xb7: {  	_ =	sfence  }
0xb8: {  	s30 =	sld [smem:$0x0];
	_ =	sdelay $0x2  }
0xb9: {  	s31 =	sshll.u32 s1, $0xD;
	s1 =	sshrl.u32 s1, $0x2  }
0xba: {  	s3 =	sand.u32 $0x4000, s31;
	s1 =	sadd.s32 s1, s30  }
0xbb: {  	s0 =	sor.u32 s3, s0;
	s1 =	sshll.u32 s1, $0x11  }
0xbc: {  	s0 =	sor.u32 s1, s0  }
0xbd: {  	s0 =	sadd.s32 $0x8F2B, s0  }
0xbe: {  	[sflag:s0] =	ssyncadd.remote.s32 $0x1  }
0xbf: {  	_ =	sfence.sel $0xFFFF  }
0xc0: {  	[dreg:$0x0] =	wrdreg $0xFFFFFFFF;
	(pc) =	sbr.abs _section_cstart, $3  }
0xc1: {  	[dreg:$0x1] =	wrdreg $0xFFFFFFFF  }
0xc2: {  	_ =	task.clear_ibuf [dreg:s7], $0x2FFFF;
	_ =	strace $0x9FFFFFFF  }
0xc3: {  	(tm) =	ssettm $0x7FFFFFFF  }
tec
execute0_lowered:
.L_overlay_start_1:
0x0: {  	(tag) =	ssettag $0x1  }
0x1: {  	s1 =	rddreg [dreg:$0x0]  }
0x2: {  	s6 =	rddreg [dreg:$0x1]  }
0x3: {  	s0 =	srdreg.scid;
	s3 =	rddreg [dreg:$0x2];
	s4 =	simm.s32 $0x0  }
0x4: {  	s14 =	simm.s32 $0x80;
	s5 =	sand.u32 $0x1, s0;
	s0 =	stileid.u32  }
0x5: {  	s15 =	simm.s32 $0x5000;
	s16 =	simm.s32 $0x1;
	s8 =	smul.u32 $0x13C00, s0  }
0x6: {  	s17 =	simm.s32 $0x0;
	[smem:$0x7FF] =	sst s4;
	s9 =	smul.u32 $0x13C000, s5  }
0x7: {  	s2 =	sshll.u32 s5, $0x4;
	s5 =	ssub.s32 $0x2, s5;
	s29 =	smul.u32 $0x4F000, s0  }
0x8: {  	s31 =	sshll.u32 s0, $0x6;
	s2 =	sor.u32 s0, s2;
	s11 =	sshrl.u32 s5, $0x1  }
0x9: {  	s7 =	smul.u32 $0x500, s2;
	s2 =	rddreg [dreg:$0x3];
	_ =	strace $0x8000004D  }
0xa: {  	s28 =	sshrl.u32 s8, $0x3;
	s8 =	sadd.s32 s8, s9;
	s30 =	sshrl.u32 s29, $0x2  }
0xb: {  	s11 =	ssub.s32 s5, s11;
	s8 =	sshrl.u32 s8, $0x3;
	s13 =	sadd.s32 s30, s3  }
0xc: {  	s10 =	sadd.s32 s7, s6;
	s7 =	sadd.s32 s28, s6;
	s12 =	sadd.s32 s8, s6  }
0xd: {  	s6 =	sor.u32 $0x1C02, s31;
	s5 =	sadd.s32 $0x4E00, s7;
	s7 =	sadd.s32 $0x85600, s10  }
0xe: {  	s8 =	sadd.s32 $0x7B600, s10;
	s9 =	sadd.s32 $0x8F600, s12;
	s10 =	smax.u32 s11, $0x1  }
0xf: {  	s11 =	sshrl.u32 s13, $0x3;
	s12 =	simm.s32 $0x2;
	s13 =	simm.s32 $0x2800  }
.LBB2_1:
0x10: {  	[spmem:s11], [sflag:s6] =	dma.local [hbm:s5], $0x2780  }
0x11: {  	_ =	swait.ge [sflag:s12], $0x2780  }
0x12: {  	[sflag:s12] =	ssyncset.done $0x0  }
0x13: {  	[sflag:s12] =	ssyncadd.s32 $0xFFFFD880  }
0x14: {  	[tilespmem:s4], [sflag:$0x2] =	stream.linear.gather [hbm4b:s7+s4], $0x2780, $0x38;
	[tilespmem:$0x1CC00] =	vst v63  }
0x15: {  	_ =	swait.ge [sflag:s12], $0x2780  }
0x16: {  	[sflag:s12] =	ssyncset.done $0x0  }
0x17: {  	[sflag:s12] =	ssyncadd.s32 $0xFFFFD880  }
0x18: {  	[tilespmem:s13], [sflag:$0x2] =	stream.linear.gather [hbm4b:s8+s4], $0x2780, $0x38;
	[tilespmem:$0x1CC00] =	vst v63  }
0x19: {  	_ =	swait.ge [sflag:s12], $0x2780  }
0x1a: {  	[sflag:s12] =	ssyncset.done $0x0  }
0x1b: {  	[sflag:s12] =	ssyncadd.s32 $0xFFFFD880  }
0x1c: {  	s18 =	simm.s32 $0x0;
	[bflag:$0x0] =	sbarrier.arrive $0xFFFF  }
0x1d: {  	[tilespmem:s15], [sflag:$0x1] =	stream.indirect.gather [hbm4b:s1+s14], $0x80, s18, s14, $0xb8;
	[tilespmem:$0x1CC00] =	vst v63  }
0x1e: {  	_ =	swait.ge [sflag:s16], $0x4000  }
0x1f: {  	[sflag:s16] =	ssyncset.done $0x0  }
0x20: {  	s31 =	simm.s32 $0x2800;
	[sflag:s16] =	ssyncadd.s32 $0xFFFFC000  }
0x21: {  	[spmem:s3] =	stream.indirect.scatter.add.f32 [tilespmem:s15], [sflag:$0x2], $0x80, s31, s14, $0xb8;
	[tilespmem:$0x1CC00] =	vst v63  }
0x22: {  	_ =	swait.ge [sflag:s12], $0x4000  }
0x23: {  	s19 =	simm.s32 $0x400;
	s18 =	simm.s32 $0x200;
	[sflag:s12] =	ssyncset.done $0x0  }
.LBB2_2:
0x24: {  	s20 =	sshra.s32 s18, $0x2  }
0x25: {  	[sflag:s12] =	ssyncadd.s32 $0xFFFFC000;
	s18 =	smov.u32 s19;
	s21 =	sadd.s32 $0x200, s19  }
0x26: {  	[tilespmem:s15], [sflag:$0x1] =	stream.indirect.gather [hbm4b:s1+s14], $0x80, s20, s14, $0xb8;
	[tilespmem:$0x1CC00] =	vst v63  }
0x27: {  	p0 =	sne.s32 s19, $0x9C00;
	_ =	swait.ge [sflag:s16], $0x4000  }
.Ltmp0:
0x28: {  	[sflag:s16] =	ssyncset.done $0x0;
	(pc) =	sbr.rel @p0 .LBB2_2-.Ltmp0, $4  }
0x29: {  	s19 =	sadd.s32 $0x2800, s20;
	[sflag:s16] =	ssyncadd.s32 $0xFFFFC000  }
0x2a: {  	[spmem:s3] =	stream.indirect.scatter.add.f32 [tilespmem:s15], [sflag:$0x2], $0x80, s19, s14, $0xb8;
	[tilespmem:$0x1CC00] =	vst v63  }
0x2b: {  	_ =	swait.ge [sflag:s12], $0x4000  }
0x2c: {  	s19 =	smov.u32 s21;
	[sflag:s12] =	ssyncset.done $0x0  }
0x2d: {  	s18 =	sshra.s32 s18, $0x2;
	[sflag:s12] =	ssyncadd.s32 $0xFFFFC000  }
0x2e: {  	[tilespmem:s15], [sflag:$0x1] =	stream.indirect.gather [hbm4b:s1+s14], $0x80, s18, s14, $0xb8;
	[tilespmem:$0x1CC00] =	vst v63  }
0x2f: {  	_ =	swait.ge [sflag:s16], $0x4000  }
0x30: {  	[sflag:s16] =	ssyncset.done $0x0  }
0x31: {  	s18 =	sadd.s32 $0x2800, s18;
	[sflag:s16] =	ssyncadd.s32 $0xFFFFC000  }
0x32: {  	[spmem:s3] =	stream.indirect.scatter.add.f32 [tilespmem:s15], [sflag:$0x2], $0x80, s18, s14, $0xb8;
	[tilespmem:$0x1CC00] =	vst v63  }
0x33: {  	_ =	swait.ge [sflag:s12], $0x4000  }
0x34: {  	s17 =	sadd.s32 $0x1, s17;
	[sflag:s12] =	ssyncset.done $0x0  }
0x35: {  	p0 =	sne.s32 s17, s10;
	[sflag:s12] =	ssyncadd.s32 $0xFFFFC000  }
.Ltmp1:
0x36: {  	[bflag:$0x0] =	sbarrier.arrive $0xFFFF;
	(pc) =	sbr.rel @p0 .LBB2_1-.Ltmp1, $4  }
0x37: {  	[hbm:s9], [sflag:s6] =	dma.local [spmem:s11], $0x2780  }
0x38: {  	_ =	swait.ge [sflag:s12], $0x2780  }
0x39: {  	[sflag:s12] =	ssyncset.done $0x0  }
0x3a: {  	[sflag:s12] =	ssyncadd.s32 $0xFFFFD880  }
0x3b: {  	_ =	sfence.sel $0x180000  }
0x3c: {  	[bflag:$0x0] =	sbarrier.arrive $0xFFFF  }
0x3d: {  	p0 =	sne.s32 s0, $0x0;
	_ =	strace $0x9000004D  }
0x3e: {  	s0 =	sadd.s32 @!p0 $0x100000, s2;
	[bflag:$0x2] =	sbarrier.arrive $0xFFFF  }
0x3f: {  	[sflag:s0] =	ssyncadd.tile.s32 @!p0 $0x1;
	_ =	shalt  }
.Lfunc_end2:
_tile_overlayer_lowered:
.L_overlay_start_2:
0x40: {  	(tag) =	ssettag $0x2  }
0x41: {  	s0 =	rddreg [dreg:$0x0];
	s2 =	stileid.u32  }
0x42: {  	s1 =	rddreg [dreg:$0x1];
	p0 =	sne.s32 s2, $0x0  }
0x43: {  	s3 =	rddreg [dreg:$0x2];
	[bflag:$0x3] =	sbarrier.arrive $0xFFFF;
	s2 =	simm.s32 @!p0 $0x1C02  }
0x44: {  	[timem:s3], [sflag:s2] =	dma.local @!p0 [hbm:s0], s1  }
0x45: {  	s0 =	simm.s32 @!p0 $0x2  }
0x46: {  	_ =	swait.ge @!p0 [sflag:s0], s1  }
0x47: {  	s1 =	ssub.s32 @!p0 $0x0, s1;
	[sflag:s0] =	ssyncset.done @!p0 $0x0  }
0x48: {  	[sflag:s0] =	ssyncadd.s32 @!p0 s1  }
0x49: {  	[bflag:$0x3] =	sbarrier.arrive $0xFFFF  }
0x4a: {  	_ =	shalt  }

// kernel: kernel.19.cloned.1.call-start
scs
__scs_entry_jumppad:
0x0: {  	(pc) =	sbr.rel $0x88, $3  }
0x1: {  	(tag) =	ssettag $0x0;
	lr =	simm.s32 $0x1  }
0x2: {  	[smem:$0x3F97] =	sst lr;
	_ =	strace $0xD0000000  }
0x3: {  	_ = 	snop  }
0x4: {  	_ = 	snop  }
0x5: {  	_ = 	snop  }
0x6: {  	_ = 	snop  }
0x7: {  	_ = 	snop  }
__scs_overlays_trampoline_lowered:
0x8: {  	[smem:$0x3FA6] =	sst s0  }
0x9: {  	[smem:$0x3FA7] =	sst s1  }
0xa: {  	[smem:$0x3FA8] =	sst s2  }
0xb: {  	[smem:$0x3FA9] =	sst s3  }
0xc: {  	[smem:$0x3FAA] =	sst s4  }
0xd: {  	[smem:$0x3FAB] =	sst s5  }
0xe: {  	[smem:$0x3FAC] =	sst s6  }
0xf: {  	[smem:$0x3FAD] =	sst s7  }
0x10: {  	[smem:$0x3FAE] =	sst s8  }
0x11: {  	[smem:$0x3FAF] =	sst s9;
	s0 =	simm.s32 @!p0 $0x0  }
0x12: {  	s1 =	sld [smem:$0x3F95];
	s0 =	simm.s32 @p0 $0x1  }
0x13: {  	[smem:$0x3FB0] =	sst s0;
	s0 =	simm.s32 @!p1 $0x0  }
0x14: {  	s2 =	sld [smem:$0x3F94];
	s0 =	simm.s32 @p1 $0x1  }
0x15: {  	[smem:$0x3FB1] =	sst s0;
	s0 =	simm.s32 @!p2 $0x0  }
0x16: {  	s3 =	sld [smem:$0x3FDB];
	s0 =	simm.s32 @p2 $0x1  }
0x17: {  	s4 =	simm.s32 $0x1BF5;
	[smem:$0x3FB3] =	sst s0  }
0x18: {  	s0 =	sld [smem:$0x3F96];
	_ =	swait.ge [sflag:s4], $0x0  }
0x19: {  	s7 =	sld [smem:$0x3F97]  }
0x1a: {  	s8 =	sadd.s32 $0xFFFFE003, lr  }
0x1b: {  	s9 =	sadd.s32 $0xFFFFFEF7, lr;
	s5 =	simm.s32 $0xFFFFFFFF;
	p2 =	slt.u32 s8, $0xFFFFF086  }
0x1c: {  	p1 =	slt.u32 s9, $0xF7A;
	s5 =	simm.s32 @!p2 $0x0  }
0x1d: {  	s5 =	simm.s32 @p1 $0x1;
	p0 =	seq.s32 s7, s2  }
0x1e: {  	s7 =	smul.u32 @!p0 $0xF7A, s2;
	p2 =	seq.s32 @!p0 s5, $0x0  }
0x1f: {  	s9 =	smul.u32 $0xF7A, s1;
	s8 =	simm.s32 @!p0 $0x1BF5;
	p2 =	por !p2, p0  }
0x20: {  	[sflag:s8] =	ssyncset.s32 @!p0 $0xFFFFF086;
	s6 =	sadd.s32 @!p0 s3, s7;
	s7 =	simm.s32 @!p0 $0x108  }
0x21: {  	s3 =	sadd.s32 s3, s9;
	s6 =	sadd.s32 @!p0 $0x88, s6;
	s7 =	simm.s32 @p2 $0x1082  }
0x22: {  	[simem:s7], [sflag:s8] =	dma.local @!p0 [hbm:s6], $0xF7A  }
0x23: {  	s9 =	sor.u32 $0xD0000000, s2;
	s6 =	simm.s32 $0x108;
	_ =	swait.ge @!p0 [sflag:s8], $0x0  }
0x24: {  	s3 =	sadd.s32 $0x88, s3;
	s6 =	simm.s32 @!p1 $0x1082;
	[sflag:s4] =	ssyncset.s32 $0xFFFFF086  }
0x25: {  	[simem:s6], [sflag:s4] =	dma.local [hbm:s3], $0xF7A  }
0x26: {  	[smem:$0x3F97] =	sst s1;
	(tag) =	ssettag s2;
	_ =	strace s9  }
0x27: {  	s1 =	sld [smem:$0x3FA7]  }
0x28: {  	s2 =	sld [smem:$0x3FA8]  }
0x29: {  	s4 =	sld [smem:$0x3FAA]  }
0x2a: {  	p0 =	seq.s32 s5, $0x0;
	s5 =	sld [smem:$0x3FAB]  }
0x2b: {  	s6 =	sld [smem:$0x3FAC]  }
0x2c: {  	s7 =	sld [smem:$0x3FAD]  }
0x2d: {  	s3 =	simm.s32 $0x108;
	s8 =	sld [smem:$0x3FAE]  }
0x2e: {  	s3 =	simm.s32 @!p0 $0x1082;
	s9 =	sld [smem:$0x3FAF]  }
0x2f: {  	lr =	sadd.s32 s0, s3;
	s0 =	sld [smem:$0x3FA6]  }
0x30: {  	s3 =	sld [smem:$0x3FA9]  }
0x31: {  	[smem:$0x3FB2] =	sst s10  }
0x32: {  	s10 =	sld [smem:$0x3FB0];
	_ =	sdelay $0x3  }
0x33: {  	p0 =	seq.s32 s10, $0x1;
	s10 =	sld [smem:$0x3FB2];
	_ =	sdelay $0x3  }
0x34: {  	[smem:$0x3FB2] =	sst s10  }
0x35: {  	s10 =	sld [smem:$0x3FB1];
	_ =	sdelay $0x3  }
0x36: {  	p1 =	seq.s32 s10, $0x1;
	s10 =	sld [smem:$0x3FB2];
	_ =	sdelay $0x3  }
0x37: {  	[smem:$0x3FB2] =	sst s10  }
0x38: {  	s10 =	sld [smem:$0x3FB3]  }
0x39: {  	_ = 	snop;
	(pc) =	sbr.ind lr, $3  }
0x3a: {  	_ = 	snop  }
0x3b: {  	_ = 	snop  }
0x3c: {  	p2 =	seq.s32 s10, $0x1;
	s10 =	sld [smem:$0x3FB2]  }
0x3d: {  	_ =	shalt  }
0x3e: {  	_ =	shalt  }
0x3f: {  	_ =	shalt  }
0x40: {  	_ =	shalt  }
0x41: {  	_ =	shalt  }
0x42: {  	_ =	shalt  }
0x43: {  	_ =	shalt  }
0x44: {  	_ =	shalt  }
0x45: {  	_ =	shalt  }
0x46: {  	_ =	shalt  }
0x47: {  	_ =	shalt  }
0x48: {  	_ =	shalt  }
0x49: {  	_ =	shalt  }
0x4a: {  	_ =	shalt  }
0x4b: {  	_ =	shalt  }
0x4c: {  	_ =	shalt  }
0x4d: {  	_ =	shalt  }
0x4e: {  	_ =	shalt  }
0x4f: {  	_ =	shalt  }
0x50: {  	_ =	shalt  }
0x51: {  	_ =	shalt  }
0x52: {  	_ =	shalt  }
0x53: {  	_ =	shalt  }
0x54: {  	_ =	shalt  }
0x55: {  	_ =	shalt  }
0x56: {  	_ =	shalt  }
0x57: {  	_ =	shalt  }
0x58: {  	_ =	shalt  }
0x59: {  	_ =	shalt  }
0x5a: {  	_ =	shalt  }
0x5b: {  	_ =	shalt  }
0x5c: {  	_ =	shalt  }
0x5d: {  	_ =	shalt  }
0x5e: {  	_ =	shalt  }
0x5f: {  	_ =	shalt  }
0x60: {  	_ =	shalt  }
0x61: {  	_ =	shalt  }
0x62: {  	_ =	shalt  }
0x63: {  	_ =	shalt  }
0x64: {  	_ =	shalt  }
0x65: {  	_ =	shalt  }
0x66: {  	_ =	shalt  }
0x67: {  	_ =	shalt  }
0x68: {  	_ =	shalt  }
0x69: {  	_ =	shalt  }
0x6a: {  	_ =	shalt  }
0x6b: {  	_ =	shalt  }
0x6c: {  	_ =	shalt  }
0x6d: {  	_ =	shalt  }
0x6e: {  	_ =	shalt  }
0x6f: {  	_ =	shalt  }
0x70: {  	_ =	shalt  }
0x71: {  	_ =	shalt  }
0x72: {  	_ =	shalt  }
0x73: {  	_ =	shalt  }
0x74: {  	_ =	shalt  }
0x75: {  	_ =	shalt  }
0x76: {  	_ =	shalt  }
0x77: {  	_ =	shalt  }
0x78: {  	_ =	shalt  }
0x79: {  	_ =	shalt  }
0x7a: {  	_ =	shalt  }
0x7b: {  	_ =	shalt  }
0x7c: {  	_ =	shalt  }
0x7d: {  	_ =	shalt  }
0x7e: {  	_ =	shalt  }
0x7f: {  	_ =	shalt  }
0x80: {  	_ =	shalt  }
0x81: {  	_ =	shalt  }
0x82: {  	_ =	shalt  }
0x83: {  	_ =	shalt  }
0x84: {  	_ =	shalt  }
0x85: {  	_ =	shalt  }
0x86: {  	_ =	shalt  }
0x87: {  	_ =	shalt  }
.Lfunc_end0:
.L_simem_size_0:
called_computation.3_lowered:
.L_overlay_start_0:
0x88: {  	s2 =	sld [smem:$0x3FD9]  }
0x89: {  	s3 =	sld [smem:$0x3FFE];
	_ =	sdelay $0x1  }
0x8a: {  	s1 =	srdreg.scid  }
0x8b: {  	s0 =	sand.u32 $0x1, s1  }
0x8c: {  	s17 =	sshll.u32 s0, $0xA;
	s2 =	sadd.s32 s3, s2  }
0x8d: {  	s2 =	sadd.s32 s2, s17  }
0x8e: {  	[smem:$0x3FBE] =	sst s2  }
0x8f: {  	_ = 	snop  }
0x90: {  	s2 =	sld [smem:$0x3FD0];
	(tm) =	ssettm $0x1  }
0x91: {  	s18 =	sld [smem:$0x3FFB];
	_ =	sdelay $0x3  }
0x92: {  	_ =	strace s18  }
0x93: {  	s3 =	sld [smem:$0x3FFC];
	_ =	sdelay $0x3  }
0x94: {  	_ =	strace s3  }
0x95: {  	s3 =	sld [smem:$0x3FFD];
	_ =	sdelay $0x3  }
0x96: {  	_ =	strace s3  }
0x97: {  	_ =	strace $0x8FFFFFFF  }
0x98: {  	s19 =	sld [smem:$0x3FDB];
	_ =	sdelay $0x1  }
0x99: {  	s4 =	simm.s32 $_scs_section_size  }
0x9a: {  	s5 =	simm.s32 $_size__tile_overlayer_lowered;
	s6 =	simm.s32 $_tile_overlayer_lowered  }
0x9b: {  	s22 =	simm.s32 $0x1BFF;
	s21 =	sshll.u32 s6, $0x1;
	s3 =	sadd.s32 s4, s19  }
0x9c: {  	s7 =	simm.s32 $0x0;
	s20 =	sshll.u32 s5, $0x1;
	s5 =	sadd.s32 s21, s3  }
0x9d: {  	[timem:s7], [sflag:s22] =	dma.local [hbm:s5], s20  }
0x9e: {  	_ =	swait.ge [sflag:s22], s20  }
0x9f: {  	s4 =	ssub.s32 $0x0, s20;
	[sflag:s22] =	ssyncset.done $0x0  }
0xa0: {  	[sflag:s22] =	ssyncadd.s32 s4;
	_ =	sdelay $0x1  }
0xa1: {  	s23 =	simm.s32 $0x1B8B  }
0xa2: {  	_ =	swait.ge [sflag:s23], $0x1  }
0xa3: {  	[sflag:s23] =	ssyncset.done $0x0  }
0xa4: {  	s25 =	simm.s32 $0x1B8E;
	s24 =	sld [smem:$0x3FFE];
	[sflag:s23] =	ssyncadd.s32 $0xFFFFFFFF  }
0xa5: {  	s26 =	simm.s32 $execute0_lowered;
	[smem:$0x3FD2] =	sst s25  }
0xa6: {  	s5 =	sshll.u32 s26, $0x1;
	_ =	strace $0x8000004F;
	[dreg:$0x1] =	wrdreg $0xFFFFFFFF  }
0xa7: {  	s28 =	simm.s32 $_size_execute0_lowered;
	s3 =	sadd.s32 s3, s5;
	[dreg:$0x0] =	wrdreg $0x0  }
0xa8: {  	s5 =	sshll.u32 s28, $0x1;
	[dreg:$0x2] =	wrdreg s3  }
0xa9: {  	[dreg:$0x3] =	wrdreg s5  }
0xaa: {  	[dreg:$0x4] =	wrdreg $0xC0  }
0xab: {  	_ =	task [dreg:s7], $0x5FFFF  }
0xac: {  	[dreg:$0x1] =	wrdreg $0xFFFFFFFF  }
0xad: {  	[dreg:$0x0] =	wrdreg $0x60  }
0xae: {  	[dreg:$0x2] =	wrdreg s2  }
0xaf: {  	[dreg:$0x3] =	wrdreg s24  }
0xb0: {  	[dreg:$0x4] =	wrdreg $0x90000  }
0xb1: {  	[dreg:$0x5] =	wrdreg $0x9  }
0xb2: {  	_ =	task.clear_ibuf [dreg:s7], $0x6FFFF;
	_ =	strace $0x9000004F  }
0xb3: {  	s29 =	simm.s32 $0x9;
	_ =	strace $0x80000051  }
0xb4: {  	_ =	swait.ge [sflag:s29], $0x1  }
0xb5: {  	[sflag:s29] =	ssyncadd.s32 $0xFFFFFFFF  }
0xb6: {  	_ =	strace $0x90000051  }
0xb7: {  	_ =	sfence  }
0xb8: {  	s30 =	sld [smem:$0x0];
	_ =	sdelay $0x2  }
0xb9: {  	s31 =	sshll.u32 s1, $0xD;
	s1 =	sshrl.u32 s1, $0x2  }
0xba: {  	s3 =	sand.u32 $0x4000, s31;
	s1 =	sadd.s32 s1, s30  }
0xbb: {  	s0 =	sor.u32 s3, s0;
	s1 =	sshll.u32 s1, $0x11  }
0xbc: {  	s0 =	sor.u32 s1, s0  }
0xbd: {  	s0 =	sadd.s32 $0x8F2B, s0  }
0xbe: {  	[sflag:s0] =	ssyncadd.remote.s32 $0x1  }
0xbf: {  	_ =	sfence.sel $0xFFFF  }
0xc0: {  	[dreg:$0x0] =	wrdreg $0xFFFFFFFF;
	(pc) =	sbr.abs _section_cstart, $3  }
0xc1: {  	[dreg:$0x1] =	wrdreg $0xFFFFFFFF  }
0xc2: {  	_ =	task.clear_ibuf [dreg:s7], $0x2FFFF;
	_ =	strace $0x9FFFFFFF  }
0xc3: {  	(tm) =	ssettm $0x7FFFFFFF  }
tec
execute0_lowered:
.L_overlay_start_1:
0x0: {  	(tag) =	ssettag $0x1  }
0x1: {  	s1 =	rddreg [dreg:$0x0]  }
0x2: {  	s6 =	rddreg [dreg:$0x1]  }
0x3: {  	s0 =	srdreg.scid;
	s3 =	rddreg [dreg:$0x2];
	s4 =	simm.s32 $0x0  }
0x4: {  	s14 =	simm.s32 $0x80;
	s5 =	sand.u32 $0x1, s0;
	s0 =	stileid.u32  }
0x5: {  	s15 =	simm.s32 $0x5000;
	s16 =	simm.s32 $0x1;
	s8 =	smul.u32 $0x13C00, s0  }
0x6: {  	s17 =	simm.s32 $0x0;
	[smem:$0x7FF] =	sst s4;
	s9 =	smul.u32 $0x13C000, s5  }
0x7: {  	s2 =	sshll.u32 s5, $0x4;
	s5 =	ssub.s32 $0x2, s5;
	s29 =	smul.u32 $0x4F000, s0  }
0x8: {  	s31 =	sshll.u32 s0, $0x6;
	s2 =	sor.u32 s0, s2;
	s11 =	sshrl.u32 s5, $0x1  }
0x9: {  	s7 =	smul.u32 $0x500, s2;
	s2 =	rddreg [dreg:$0x3];
	_ =	strace $0x80000050  }
0xa: {  	s28 =	sshrl.u32 s8, $0x3;
	s8 =	sadd.s32 s8, s9;
	s30 =	sshrl.u32 s29, $0x2  }
0xb: {  	s11 =	ssub.s32 s5, s11;
	s8 =	sshrl.u32 s8, $0x3;
	s13 =	sadd.s32 s30, s3  }
0xc: {  	s10 =	sadd.s32 s7, s6;
	s7 =	sadd.s32 s28, s6;
	s12 =	sadd.s32 s8, s6  }
0xd: {  	s6 =	sor.u32 $0x1C02, s31;
	s5 =	sadd.s32 $0x4E00, s7;
	s7 =	sadd.s32 $0x85600, s10  }
0xe: {  	s8 =	sadd.s32 $0x7B600, s10;
	s9 =	sadd.s32 $0x8F600, s12;
	s10 =	smax.u32 s11, $0x1  }
0xf: {  	s11 =	sshrl.u32 s13, $0x3;
	s12 =	simm.s32 $0x2;
	s13 =	simm.s32 $0x2800  }
.LBB2_1:
0x10: {  	[spmem:s11], [sflag:s6] =	dma.local [hbm:s5], $0x2780  }
0x11: {  	_ =	swait.ge [sflag:s12], $0x2780  }
0x12: {  	[sflag:s12] =	ssyncset.done $0x0  }
0x13: {  	[sflag:s12] =	ssyncadd.s32 $0xFFFFD880  }
0x14: {  	[tilespmem:s4], [sflag:$0x2] =	stream.linear.gather [hbm4b:s7+s4], $0x2780, $0x38;
	[tilespmem:$0x1CC00] =	vst v63  }
0x15: {  	_ =	swait.ge [sflag:s12], $0x2780  }
0x16: {  	[sflag:s12] =	ssyncset.done $0x0  }
0x17: {  	[sflag:s12] =	ssyncadd.s32 $0xFFFFD880  }
0x18: {  	[tilespmem:s13], [sflag:$0x2] =	stream.linear.gather [hbm4b:s8+s4], $0x2780, $0x38;
	[tilespmem:$0x1CC00] =	vst v63  }
0x19: {  	_ =	swait.ge [sflag:s12], $0x2780  }
0x1a: {  	[sflag:s12] =	ssyncset.done $0x0  }
0x1b: {  	[sflag:s12] =	ssyncadd.s32 $0xFFFFD880  }
0x1c: {  	s18 =	simm.s32 $0x0;
	[bflag:$0x0] =	sbarrier.arrive $0xFFFF  }
0x1d: {  	[tilespmem:s15], [sflag:$0x1] =	stream.indirect.gather [hbm4b:s1+s14], $0x80, s18, s14, $0xb8;
	[tilespmem:$0x1CC00] =	vst v63  }
0x1e: {  	_ =	swait.ge [sflag:s16], $0x4000  }
0x1f: {  	[sflag:s16] =	ssyncset.done $0x0  }
0x20: {  	s31 =	simm.s32 $0x2800;
	[sflag:s16] =	ssyncadd.s32 $0xFFFFC000  }
0x21: {  	[spmem:s3] =	stream.indirect.scatter.add.f32 [tilespmem:s15], [sflag:$0x2], $0x80, s31, s14, $0xb8;
	[tilespmem:$0x1CC00] =	vst v63  }
0x22: {  	_ =	swait.ge [sflag:s12], $0x4000  }
0x23: {  	s19 =	simm.s32 $0x400;
	s18 =	simm.s32 $0x200;
	[sflag:s12] =	ssyncset.done $0x0  }
.LBB2_2:
0x24: {  	s20 =	sshra.s32 s18, $0x2  }
0x25: {  	[sflag:s12] =	ssyncadd.s32 $0xFFFFC000;
	s18 =	smov.u32 s19;
	s21 =	sadd.s32 $0x200, s19  }
0x26: {  	[tilespmem:s15], [sflag:$0x1] =	stream.indirect.gather [hbm4b:s1+s14], $0x80, s20, s14, $0xb8;
	[tilespmem:$0x1CC00] =	vst v63  }
0x27: {  	p0 =	sne.s32 s19, $0x9C00;
	_ =	swait.ge [sflag:s16], $0x4000  }
.Ltmp0:
0x28: {  	[sflag:s16] =	ssyncset.done $0x0;
	(pc) =	sbr.rel @p0 .LBB2_2-.Ltmp0, $4  }
0x29: {  	s19 =	sadd.s32 $0x2800, s20;
	[sflag:s16] =	ssyncadd.s32 $0xFFFFC000  }
0x2a: {  	[spmem:s3] =	stream.indirect.scatter.add.f32 [tilespmem:s15], [sflag:$0x2], $0x80, s19, s14, $0xb8;
	[tilespmem:$0x1CC00] =	vst v63  }
0x2b: {  	_ =	swait.ge [sflag:s12], $0x4000  }
0x2c: {  	s19 =	smov.u32 s21;
	[sflag:s12] =	ssyncset.done $0x0  }
0x2d: {  	s18 =	sshra.s32 s18, $0x2;
	[sflag:s12] =	ssyncadd.s32 $0xFFFFC000  }
0x2e: {  	[tilespmem:s15], [sflag:$0x1] =	stream.indirect.gather [hbm4b:s1+s14], $0x80, s18, s14, $0xb8;
	[tilespmem:$0x1CC00] =	vst v63  }
0x2f: {  	_ =	swait.ge [sflag:s16], $0x4000  }
0x30: {  	[sflag:s16] =	ssyncset.done $0x0  }
0x31: {  	s18 =	sadd.s32 $0x2800, s18;
	[sflag:s16] =	ssyncadd.s32 $0xFFFFC000  }
0x32: {  	[spmem:s3] =	stream.indirect.scatter.add.f32 [tilespmem:s15], [sflag:$0x2], $0x80, s18, s14, $0xb8;
	[tilespmem:$0x1CC00] =	vst v63  }
0x33: {  	_ =	swait.ge [sflag:s12], $0x4000  }
0x34: {  	s17 =	sadd.s32 $0x1, s17;
	[sflag:s12] =	ssyncset.done $0x0  }
0x35: {  	p0 =	sne.s32 s17, s10;
	[sflag:s12] =	ssyncadd.s32 $0xFFFFC000  }
.Ltmp1:
0x36: {  	[bflag:$0x0] =	sbarrier.arrive $0xFFFF;
	(pc) =	sbr.rel @p0 .LBB2_1-.Ltmp1, $4  }
0x37: {  	[hbm:s9], [sflag:s6] =	dma.local [spmem:s11], $0x2780  }
0x38: {  	_ =	swait.ge [sflag:s12], $0x2780  }
0x39: {  	[sflag:s12] =	ssyncset.done $0x0  }
0x3a: {  	[sflag:s12] =	ssyncadd.s32 $0xFFFFD880  }
0x3b: {  	_ =	sfence.sel $0x180000  }
0x3c: {  	[bflag:$0x0] =	sbarrier.arrive $0xFFFF  }
0x3d: {  	p0 =	sne.s32 s0, $0x0;
	_ =	strace $0x90000050  }
0x3e: {  	s0 =	sadd.s32 @!p0 $0x100000, s2;
	[bflag:$0x2] =	sbarrier.arrive $0xFFFF  }
0x3f: {  	[sflag:s0] =	ssyncadd.tile.s32 @!p0 $0x1;
	_ =	shalt  }
.Lfunc_end2:
_tile_overlayer_lowered:
.L_overlay_start_2:
0x40: {  	(tag) =	ssettag $0x2  }
0x41: {  	s0 =	rddreg [dreg:$0x0];
	s2 =	stileid.u32  }
0x42: {  	s1 =	rddreg [dreg:$0x1];
	p0 =	sne.s32 s2, $0x0  }
0x43: {  	s3 =	rddreg [dreg:$0x2];
	[bflag:$0x3] =	sbarrier.arrive $0xFFFF;
	s2 =	simm.s32 @!p0 $0x1C02  }
0x44: {  	[timem:s3], [sflag:s2] =	dma.local @!p0 [hbm:s0], s1  }
0x45: {  	s0 =	simm.s32 @!p0 $0x2  }
0x46: {  	_ =	swait.ge @!p0 [sflag:s0], s1  }
0x47: {  	s1 =	ssub.s32 @!p0 $0x0, s1;
	[sflag:s0] =	ssyncset.done @!p0 $0x0  }
0x48: {  	[sflag:s0] =	ssyncadd.s32 @!p0 s1  }
0x49: {  	[bflag:$0x3] =	sbarrier.arrive $0xFFFF  }
0x4a: {  	_ =	shalt  }

</sc_bundles>
